<compile_context>
chip_gen: v7x
topology: tpu7x:2x2x1
jax: 0.10.2.dev20260603
libtpu: 0.0.44.dev20260713+nightly
codegen_flags: <defaults>
</compile_context>

<pallas_src>
import jax
import jax.numpy as jnp
from jax import lax
from jax.experimental import pallas as pl
from jax.experimental.pallas import tpu as pltpu
from jax.experimental.pallas import tpu_sc as plsc

VOCAB = 1000000
DIM = 50
ROWP = 128
B = 4096
L = 200

NC = 2
NS = 16
NW = NC * NS

N_TOK = B * L
PER_W = N_TOK // NW
CHUNK = 128
NCH = PER_W // CHUNK

VB = 4096


def _tc_transpose(tab_t):
    def body(in_ref, out_ref):
        xt = jnp.swapaxes(in_ref[...], 0, 1)
        out_ref[...] = jnp.concatenate(
            [xt, jnp.zeros((VB, ROWP - DIM), jnp.float32)], axis=1)

    grid = (VOCAB + VB - 1) // VB
    return pl.pallas_call(
        body,
        grid=(grid,),
        in_specs=[pl.BlockSpec((DIM, VB), lambda i: (0, i))],
        out_specs=pl.BlockSpec((VB, ROWP), lambda i: (i, 0)),
        out_shape=jax.ShapeDtypeStruct((VOCAB, ROWP), jnp.float32),
    )(tab_t)


NBUF = 5


def _sc_body(idx_hbm, table_hbm, out_hbm, idx_v, rows_v, *sems):
    gsem = sems[:NBUF]
    wsem = sems[NBUF:]
    wid = lax.axis_index("s") * NC + lax.axis_index("c")
    base = wid * PER_W
    pltpu.sync_copy(idx_hbm.at[wid], idx_v)

    for k in range(NBUF):
        pltpu.async_copy(table_hbm.at[idx_v.at[k]], rows_v.at[k], gsem[k])

    def round_(q, carry):
        for k in range(NBUF):
            j = q * NBUF + k
            pltpu.make_async_copy(table_hbm.at[idx_v.at[j]],
                                  rows_v.at[k], gsem[k]).wait()
            pltpu.async_copy(rows_v.at[k],
                             out_hbm.at[pl.ds(base + j * CHUNK, CHUNK)],
                             wsem[k])

            @pl.when(j + NBUF < NCH)
            def _():
                pltpu.make_async_copy(
                    rows_v.at[k],
                    out_hbm.at[pl.ds(base + j * CHUNK, CHUNK)],
                    wsem[k]).wait()
                pltpu.async_copy(table_hbm.at[idx_v.at[j + NBUF]],
                                 rows_v.at[k], gsem[k])
        return carry

    lax.fori_loop(0, NCH // NBUF, round_, 0)

    for k in range(NBUF):
        j = NCH - NBUF + k
        pltpu.make_async_copy(rows_v.at[k],
                              out_hbm.at[pl.ds(base + j * CHUNK, CHUNK)],
                              wsem[k]).wait()


@jax.jit
def kernel(indices, table):
    idx = indices.reshape(NW, NCH, CHUNK).astype(jnp.int32)
    tab128 = _tc_transpose(jnp.swapaxes(table, 0, 1))
    mesh = plsc.VectorSubcoreMesh(core_axis_name="c", subcore_axis_name="s")
    out = pl.kernel(
        _sc_body,
        mesh=mesh,
        compiler_params=pltpu.CompilerParams(use_tc_tiling_on_sc=True),
        out_type=jax.ShapeDtypeStruct((N_TOK, ROWP), jnp.float32),
        scratch_types=[
            pltpu.VMEM((NCH, CHUNK), jnp.int32),
            pltpu.VMEM((NBUF, CHUNK, ROWP), jnp.float32),
        ] + [pltpu.SemaphoreType.DMA] * (2 * NBUF),
    )(idx, tab128)
    return out[:, :DIM].reshape(B, L, DIM)

# --- scband reference (transcript-rebuilt; emitter-appended) ---
"""Pipeline reference for scband-word2-vec-59992103190787 (READ-ONLY COPY).

The authoritative reference and input builder live on the scoring server;
editing this copy changes nothing except your own understanding.
"""

import jax, jax.numpy as jnp
import numpy as np

VOCAB = 1000000
DIM = 50
B = 4096
L = 200


def setup_inputs(seed: int = 0) -> dict:
    key = jax.random.key(seed)
    k_idx, k_tab = jax.random.split(key)
    # token indices per sentence; pad_sequence is modeled as a fixed max length L
    indices = jax.random.randint(k_idx, (B, L), 0, VOCAB)
    # GloVe-style pretrained embedding table (vocab x 50)
    table = jax.random.normal(k_tab, (VOCAB, DIM), dtype=jnp.float32) * 0.02
    return {"indices": indices, "table": table}


def reference(indices, table):
    # Word2Vec.forward: for each sentence, gather vectors by token indices,
    # then pad to [B, L, DIM] (batch_first=True). With fixed-length indices the
    # padded batch is exactly the gathered tensor.
    embeds = jnp.take(table, indices, axis=0)  # [B, L, DIM]
    return embeds

if __name__ == "__main__":
    import jax
    _d = setup_inputs()
    print(jax.jit(kernel)(*tuple(_d.values())))

</pallas_src>

<mosaic_0001>
#map = affine_map<(d0, d1) -> (0, 0, 0)>
#map1 = affine_map<(d0, d1) -> (0, 0)>
module attributes {stable_mosaic.version = 14 : i64} {
  func.func @_sc_body(%arg0: i32, %arg1: i32, %arg2: memref<32x200x128xi32, #tpu.memory_space<hbm>>, %arg3: memref<1000000x128xf32, #tpu.memory_space<hbm>>, %arg4: memref<819200x128xf32, #tpu.memory_space<hbm>>, %arg5: memref<200x128xi32, #tpu.memory_space<vmem>>, %arg6: memref<5x128x128xf32, #tpu.memory_space<vmem>>, %arg7: memref<!tpu.dma_semaphore, #tpu.memory_space<semaphore_mem>>, %arg8: memref<!tpu.dma_semaphore, #tpu.memory_space<semaphore_mem>>, %arg9: memref<!tpu.dma_semaphore, #tpu.memory_space<semaphore_mem>>, %arg10: memref<!tpu.dma_semaphore, #tpu.memory_space<semaphore_mem>>, %arg11: memref<!tpu.dma_semaphore, #tpu.memory_space<semaphore_mem>>, %arg12: memref<!tpu.dma_semaphore, #tpu.memory_space<semaphore_mem>>, %arg13: memref<!tpu.dma_semaphore, #tpu.memory_space<semaphore_mem>>, %arg14: memref<!tpu.dma_semaphore, #tpu.memory_space<semaphore_mem>>, %arg15: memref<!tpu.dma_semaphore, #tpu.memory_space<semaphore_mem>>, %arg16: memref<!tpu.dma_semaphore, #tpu.memory_space<semaphore_mem>>) attributes {dimension_semantics = [#tpu.dimension_semantics<core_parallel>, #tpu.dimension_semantics<subcore_parallel>], iteration_bounds = array<i64: 2, 16>, scalar_prefetch = 0 : i64, scratch_operands = 12 : i64, tpu.core_type = #tpu.core_type<sc_vector_subcore>, window_params = [{transform_indices = #map}, {transform_indices = #map1}, {transform_indices = #map1}]} {
    %mul3A = arith.constant 2 : i32
    %mul3A_0 = arith.muli %arg1, %mul3A : i32
    %add3A = arith.addi %mul3A_0, %arg0 : i32
    %mul3A_1 = arith.constant 25600 : i32
    %mul3A_2 = arith.muli %add3A, %mul3A_1 : i32
    "tpu.region"() ({
      %run_scoped3A = tpu.sem_alloc : memref<!tpu.dma_semaphore, #tpu.memory_space<semaphore_mem>>
      %dma_start3A_141 = arith.constant 0 : i32
      %dma_start3A_142 = arith.constant 0 : i32
      %dma_start3A_143 = tpu.memref_slice %arg2[%add3A, %dma_start3A_141, %dma_start3A_142] : memref<32x200x128xi32, #tpu.memory_space<hbm>> -> memref<1x200x128xi32, #tpu.memory_space<hbm>>
      %dma_start3A_144 = tpu.memref_squeeze %dma_start3A_143 : memref<1x200x128xi32, #tpu.memory_space<hbm>> -> memref<200x128xi32, #tpu.memory_space<hbm>>
      %dma_start3A_145 = arith.constant 0 : i32
      %dma_start3A_146 = arith.constant 0 : i32
      %dma_start3A_147 = tpu.memref_slice %arg2[%add3A, %dma_start3A_145, %dma_start3A_146] : memref<32x200x128xi32, #tpu.memory_space<hbm>> -> memref<1x200x128xi32, #tpu.memory_space<hbm>>
      %dma_start3A_148 = tpu.memref_squeeze %dma_start3A_147 : memref<1x200x128xi32, #tpu.memory_space<hbm>> -> memref<200x128xi32, #tpu.memory_space<hbm>>
      tpu.enqueue_dma source(%dma_start3A_148 : memref<200x128xi32, #tpu.memory_space<hbm>>) target(%arg5 : memref<200x128xi32, #tpu.memory_space<vmem>>) target_semaphore(%run_scoped3A : memref<!tpu.dma_semaphore, #tpu.memory_space<semaphore_mem>>)
      %dma_wait3A_149 = arith.constant 0 : i32
      %dma_wait3A_150 = arith.constant 0 : i32
      %dma_wait3A_151 = tpu.memref_slice %arg2[%add3A, %dma_wait3A_149, %dma_wait3A_150] : memref<32x200x128xi32, #tpu.memory_space<hbm>> -> memref<1x200x128xi32, #tpu.memory_space<hbm>>
      %dma_wait3A_152 = tpu.memref_squeeze %dma_wait3A_151 : memref<1x200x128xi32, #tpu.memory_space<hbm>> -> memref<200x128xi32, #tpu.memory_space<hbm>>
      %dma_wait3A_153 = arith.constant 0 : i32
      %dma_wait3A_154 = arith.constant 0 : i32
      %dma_wait3A_155 = tpu.memref_slice %arg2[%add3A, %dma_wait3A_153, %dma_wait3A_154] : memref<32x200x128xi32, #tpu.memory_space<hbm>> -> memref<1x200x128xi32, #tpu.memory_space<hbm>>
      %dma_wait3A_156 = tpu.memref_squeeze %dma_wait3A_155 : memref<1x200x128xi32, #tpu.memory_space<hbm>> -> memref<200x128xi32, #tpu.memory_space<hbm>>
      tpu.wait_dma2 semaphore(%run_scoped3A : memref<!tpu.dma_semaphore, #tpu.memory_space<semaphore_mem>>) src(%dma_wait3A_156 : memref<200x128xi32, #tpu.memory_space<hbm>>) dst(%arg5 : memref<200x128xi32, #tpu.memory_space<vmem>>)
      tpu.yield
    }) : () -> ()
    %dma_start3A = arith.constant 0 : i32
    %dma_start3A_3 = arith.constant 0 : i32
    %dma_start3A_4 = arith.constant 0 : i32
    %dma_start3A_5 = arith.constant 0 : i32
    %dma_start3A_6 = tpu.memref_slice %arg6[%dma_start3A_3, %dma_start3A_4, %dma_start3A_5] : memref<5x128x128xf32, #tpu.memory_space<vmem>> -> memref<1x128x128xf32, #tpu.memory_space<vmem>>
    %dma_start3A_7 = tpu.memref_squeeze %dma_start3A_6 : memref<1x128x128xf32, #tpu.memory_space<vmem>> -> memref<128x128xf32, #tpu.memory_space<vmem>>
    %dma_start3A_8 = arith.constant 0 : i32
    %dma_start3A_9 = tpu.memref_slice %arg5[%dma_start3A, %dma_start3A_8] : memref<200x128xi32, #tpu.memory_space<vmem>> -> memref<1x128xi32, #tpu.memory_space<vmem>>
    %dma_start3A_10 = tpu.memref_squeeze %dma_start3A_9 : memref<1x128xi32, #tpu.memory_space<vmem>> -> memref<128xi32, #tpu.memory_space<vmem>>
    %dma_start3A_11 = arith.constant 0 : i32
    %dma_start3A_12 = arith.constant 0 : i32
    %dma_start3A_13 = tpu.memref_slice %arg3[%dma_start3A_11, %dma_start3A_12] : memref<1000000x128xf32, #tpu.memory_space<hbm>> -> memref<1000000x128xf32, #tpu.memory_space<hbm>>
    tpu.enqueue_indirect_dma source(%dma_start3A_13 : memref<1000000x128xf32, #tpu.memory_space<hbm>>) target(%dma_start3A_7 : memref<128x128xf32, #tpu.memory_space<vmem>>) offsets(%dma_start3A_10 : memref<128xi32, #tpu.memory_space<vmem>>) semaphore(%arg7 : memref<!tpu.dma_semaphore, #tpu.memory_space<semaphore_mem>>)
    %dma_start3A_14 = arith.constant 1 : i32
    %dma_start3A_15 = arith.constant 1 : i32
    %dma_start3A_16 = arith.constant 0 : i32
    %dma_start3A_17 = arith.constant 0 : i32
    %dma_start3A_18 = tpu.memref_slice %arg6[%dma_start3A_15, %dma_start3A_16, %dma_start3A_17] : memref<5x128x128xf32, #tpu.memory_space<vmem>> -> memref<1x128x128xf32, #tpu.memory_space<vmem>>
    %dma_start3A_19 = tpu.memref_squeeze %dma_start3A_18 : memref<1x128x128xf32, #tpu.memory_space<vmem>> -> memref<128x128xf32, #tpu.memory_space<vmem>>
    %dma_start3A_20 = arith.constant 0 : i32
    %dma_start3A_21 = tpu.memref_slice %arg5[%dma_start3A_14, %dma_start3A_20] : memref<200x128xi32, #tpu.memory_space<vmem>> -> memref<1x128xi32, #tpu.memory_space<vmem>>
    %dma_start3A_22 = tpu.memref_squeeze %dma_start3A_21 : memref<1x128xi32, #tpu.memory_space<vmem>> -> memref<128xi32, #tpu.memory_space<vmem>>
    %dma_start3A_23 = arith.constant 0 : i32
    %dma_start3A_24 = arith.constant 0 : i32
    %dma_start3A_25 = tpu.memref_slice %arg3[%dma_start3A_23, %dma_start3A_24] : memref<1000000x128xf32, #tpu.memory_space<hbm>> -> memref<1000000x128xf32, #tpu.memory_space<hbm>>
    tpu.enqueue_indirect_dma source(%dma_start3A_25 : memref<1000000x128xf32, #tpu.memory_space<hbm>>) target(%dma_start3A_19 : memref<128x128xf32, #tpu.memory_space<vmem>>) offsets(%dma_start3A_22 : memref<128xi32, #tpu.memory_space<vmem>>) semaphore(%arg8 : memref<!tpu.dma_semaphore, #tpu.memory_space<semaphore_mem>>)
    %dma_start3A_26 = arith.constant 2 : i32
    %dma_start3A_27 = arith.constant 2 : i32
    %dma_start3A_28 = arith.constant 0 : i32
    %dma_start3A_29 = arith.constant 0 : i32
    %dma_start3A_30 = tpu.memref_slice %arg6[%dma_start3A_27, %dma_start3A_28, %dma_start3A_29] : memref<5x128x128xf32, #tpu.memory_space<vmem>> -> memref<1x128x128xf32, #tpu.memory_space<vmem>>
    %dma_start3A_31 = tpu.memref_squeeze %dma_start3A_30 : memref<1x128x128xf32, #tpu.memory_space<vmem>> -> memref<128x128xf32, #tpu.memory_space<vmem>>
    %dma_start3A_32 = arith.constant 0 : i32
    %dma_start3A_33 = tpu.memref_slice %arg5[%dma_start3A_26, %dma_start3A_32] : memref<200x128xi32, #tpu.memory_space<vmem>> -> memref<1x128xi32, #tpu.memory_space<vmem>>
    %dma_start3A_34 = tpu.memref_squeeze %dma_start3A_33 : memref<1x128xi32, #tpu.memory_space<vmem>> -> memref<128xi32, #tpu.memory_space<vmem>>
    %dma_start3A_35 = arith.constant 0 : i32
    %dma_start3A_36 = arith.constant 0 : i32
    %dma_start3A_37 = tpu.memref_slice %arg3[%dma_start3A_35, %dma_start3A_36] : memref<1000000x128xf32, #tpu.memory_space<hbm>> -> memref<1000000x128xf32, #tpu.memory_space<hbm>>
    tpu.enqueue_indirect_dma source(%dma_start3A_37 : memref<1000000x128xf32, #tpu.memory_space<hbm>>) target(%dma_start3A_31 : memref<128x128xf32, #tpu.memory_space<vmem>>) offsets(%dma_start3A_34 : memref<128xi32, #tpu.memory_space<vmem>>) semaphore(%arg9 : memref<!tpu.dma_semaphore, #tpu.memory_space<semaphore_mem>>)
    %dma_start3A_38 = arith.constant 3 : i32
    %dma_start3A_39 = arith.constant 3 : i32
    %dma_start3A_40 = arith.constant 0 : i32
    %dma_start3A_41 = arith.constant 0 : i32
    %dma_start3A_42 = tpu.memref_slice %arg6[%dma_start3A_39, %dma_start3A_40, %dma_start3A_41] : memref<5x128x128xf32, #tpu.memory_space<vmem>> -> memref<1x128x128xf32, #tpu.memory_space<vmem>>
    %dma_start3A_43 = tpu.memref_squeeze %dma_start3A_42 : memref<1x128x128xf32, #tpu.memory_space<vmem>> -> memref<128x128xf32, #tpu.memory_space<vmem>>
    %dma_start3A_44 = arith.constant 0 : i32
    %dma_start3A_45 = tpu.memref_slice %arg5[%dma_start3A_38, %dma_start3A_44] : memref<200x128xi32, #tpu.memory_space<vmem>> -> memref<1x128xi32, #tpu.memory_space<vmem>>
    %dma_start3A_46 = tpu.memref_squeeze %dma_start3A_45 : memref<1x128xi32, #tpu.memory_space<vmem>> -> memref<128xi32, #tpu.memory_space<vmem>>
    %dma_start3A_47 = arith.constant 0 : i32
    %dma_start3A_48 = arith.constant 0 : i32
    %dma_start3A_49 = tpu.memref_slice %arg3[%dma_start3A_47, %dma_start3A_48] : memref<1000000x128xf32, #tpu.memory_space<hbm>> -> memref<1000000x128xf32, #tpu.memory_space<hbm>>
    tpu.enqueue_indirect_dma source(%dma_start3A_49 : memref<1000000x128xf32, #tpu.memory_space<hbm>>) target(%dma_start3A_43 : memref<128x128xf32, #tpu.memory_space<vmem>>) offsets(%dma_start3A_46 : memref<128xi32, #tpu.memory_space<vmem>>) semaphore(%arg10 : memref<!tpu.dma_semaphore, #tpu.memory_space<semaphore_mem>>)
    %dma_start3A_50 = arith.constant 4 : i32
    %dma_start3A_51 = arith.constant 4 : i32
    %dma_start3A_52 = arith.constant 0 : i32
    %dma_start3A_53 = arith.constant 0 : i32
    %dma_start3A_54 = tpu.memref_slice %arg6[%dma_start3A_51, %dma_start3A_52, %dma_start3A_53] : memref<5x128x128xf32, #tpu.memory_space<vmem>> -> memref<1x128x128xf32, #tpu.memory_space<vmem>>
    %dma_start3A_55 = tpu.memref_squeeze %dma_start3A_54 : memref<1x128x128xf32, #tpu.memory_space<vmem>> -> memref<128x128xf32, #tpu.memory_space<vmem>>
    %dma_start3A_56 = arith.constant 0 : i32
    %dma_start3A_57 = tpu.memref_slice %arg5[%dma_start3A_50, %dma_start3A_56] : memref<200x128xi32, #tpu.memory_space<vmem>> -> memref<1x128xi32, #tpu.memory_space<vmem>>
    %dma_start3A_58 = tpu.memref_squeeze %dma_start3A_57 : memref<1x128xi32, #tpu.memory_space<vmem>> -> memref<128xi32, #tpu.memory_space<vmem>>
    %dma_start3A_59 = arith.constant 0 : i32
    %dma_start3A_60 = arith.constant 0 : i32
    %dma_start3A_61 = tpu.memref_slice %arg3[%dma_start3A_59, %dma_start3A_60] : memref<1000000x128xf32, #tpu.memory_space<hbm>> -> memref<1000000x128xf32, #tpu.memory_space<hbm>>
    tpu.enqueue_indirect_dma source(%dma_start3A_61 : memref<1000000x128xf32, #tpu.memory_space<hbm>>) target(%dma_start3A_55 : memref<128x128xf32, #tpu.memory_space<vmem>>) offsets(%dma_start3A_58 : memref<128xi32, #tpu.memory_space<vmem>>) semaphore(%arg11 : memref<!tpu.dma_semaphore, #tpu.memory_space<semaphore_mem>>)
    %scan3A = arith.constant 0 : i32
    %scan3A_62 = arith.constant 0 : i32
    %scan3A_63 = arith.constant 40 : i32
    %scan3A_64 = arith.addi %scan3A_62, %scan3A_63 : i32
    %scan3A_65 = arith.constant 1 : i32
    scf.for %scan3A_141 = %scan3A_62 to %scan3A_64 step %scan3A_65  : i32 {
      %mul3A_142 = arith.constant 5 : i32
      %mul3A_143 = arith.muli %scan3A_141, %mul3A_142 : i32
      %add3A_144 = arith.constant 0 : i32
      %add3A_145 = arith.addi %mul3A_143, %add3A_144 : i32
      %dma_wait3A_146 = arith.constant 0 : i32
      %dma_wait3A_147 = arith.constant 0 : i32
      %dma_wait3A_148 = arith.constant 0 : i32
      %dma_wait3A_149 = tpu.memref_slice %arg6[%dma_wait3A_146, %dma_wait3A_147, %dma_wait3A_148] : memref<5x128x128xf32, #tpu.memory_space<vmem>> -> memref<1x128x128xf32, #tpu.memory_space<vmem>>
      %dma_wait3A_150 = tpu.memref_squeeze %dma_wait3A_149 : memref<1x128x128xf32, #tpu.memory_space<vmem>> -> memref<128x128xf32, #tpu.memory_space<vmem>>
      %dma_wait3A_151 = arith.constant 0 : i32
      %dma_wait3A_152 = tpu.memref_slice %arg5[%add3A_145, %dma_wait3A_151] : memref<200x128xi32, #tpu.memory_space<vmem>> -> memref<1x128xi32, #tpu.memory_space<vmem>>
      %dma_wait3A_153 = tpu.memref_squeeze %dma_wait3A_152 : memref<1x128xi32, #tpu.memory_space<vmem>> -> memref<128xi32, #tpu.memory_space<vmem>>
      %dma_wait3A_154 = arith.constant 0 : i32
      %dma_wait3A_155 = arith.constant 0 : i32
      %dma_wait3A_156 = tpu.memref_slice %arg3[%dma_wait3A_154, %dma_wait3A_155] : memref<1000000x128xf32, #tpu.memory_space<hbm>> -> memref<1000000x128xf32, #tpu.memory_space<hbm>>
      tpu.wait_indirect_dma semaphore(%arg7 : memref<!tpu.dma_semaphore, #tpu.memory_space<semaphore_mem>>) src(%dma_wait3A_156 : memref<1000000x128xf32, #tpu.memory_space<hbm>>) dst(%dma_wait3A_150 : memref<128x128xf32, #tpu.memory_space<vmem>>)
      %mul3A_157 = arith.constant 128 : i32
      %mul3A_158 = arith.muli %add3A_145, %mul3A_157 : i32
      %add3A_159 = arith.addi %mul3A_2, %mul3A_158 : i32
      %dma_start3A_160 = arith.constant 0 : i32
      %dma_start3A_161 = arith.constant 0 : i32
      %dma_start3A_162 = arith.constant 0 : i32
      %dma_start3A_163 = tpu.memref_slice %arg6[%dma_start3A_160, %dma_start3A_161, %dma_start3A_162] : memref<5x128x128xf32, #tpu.memory_space<vmem>> -> memref<1x128x128xf32, #tpu.memory_space<vmem>>
      %dma_start3A_164 = tpu.memref_squeeze %dma_start3A_163 : memref<1x128x128xf32, #tpu.memory_space<vmem>> -> memref<128x128xf32, #tpu.memory_space<vmem>>
      %dma_start3A_165 = arith.constant 0 : i32
      %dma_start3A_166 = tpu.memref_slice %arg4[%add3A_159, %dma_start3A_165] : memref<819200x128xf32, #tpu.memory_space<hbm>> -> memref<128x128xf32, #tpu.memory_space<hbm>>
      %dma_start3A_167 = arith.constant 0 : i32
      %dma_start3A_168 = tpu.memref_slice %arg4[%add3A_159, %dma_start3A_167] : memref<819200x128xf32, #tpu.memory_space<hbm>> -> memref<128x128xf32, #tpu.memory_space<hbm>>
      %dma_start3A_169 = arith.constant 0 : i32
      %dma_start3A_170 = arith.constant 0 : i32
      %dma_start3A_171 = tpu.memref_slice %arg6[%dma_start3A_160, %dma_start3A_169, %dma_start3A_170] : memref<5x128x128xf32, #tpu.memory_space<vmem>> -> memref<1x128x128xf32, #tpu.memory_space<vmem>>
      %dma_start3A_172 = tpu.memref_squeeze %dma_start3A_171 : memref<1x128x128xf32, #tpu.memory_space<vmem>> -> memref<128x128xf32, #tpu.memory_space<vmem>>
      tpu.enqueue_dma source(%dma_start3A_172 : memref<128x128xf32, #tpu.memory_space<vmem>>) target(%dma_start3A_168 : memref<128x128xf32, #tpu.memory_space<hbm>>) target_semaphore(%arg12 : memref<!tpu.dma_semaphore, #tpu.memory_space<semaphore_mem>>)
      %add3A_173 = arith.constant 5 : i32
      %add3A_174 = arith.addi %add3A_145, %add3A_173 : i32
      %lt3A = arith.constant 200 : i32
      %lt3A_175 = arith.cmpi slt, %add3A_174, %lt3A : i32
      %convert_element_type3A = arith.extui %lt3A_175 : i1 to i32
      %cond3A = arith.constant 0 : i32
      %cond3A_176 = arith.cmpi ne, %convert_element_type3A, %cond3A : i32
      scf.if %cond3A_176 {
        %mul3A_329 = arith.constant 128 : i32
        %mul3A_330 = arith.muli %add3A_145, %mul3A_329 : i32
        %add3A_331 = arith.addi %mul3A_2, %mul3A_330 : i32
        %dma_wait3A_332 = arith.constant 0 : i32
        %dma_wait3A_333 = arith.constant 0 : i32
        %dma_wait3A_334 = arith.constant 0 : i32
        %dma_wait3A_335 = tpu.memref_slice %arg6[%dma_wait3A_332, %dma_wait3A_333, %dma_wait3A_334] : memref<5x128x128xf32, #tpu.memory_space<vmem>> -> memref<1x128x128xf32, #tpu.memory_space<vmem>>
        %dma_wait3A_336 = tpu.memref_squeeze %dma_wait3A_335 : memref<1x128x128xf32, #tpu.memory_space<vmem>> -> memref<128x128xf32, #tpu.memory_space<vmem>>
        %dma_wait3A_337 = arith.constant 0 : i32
        %dma_wait3A_338 = tpu.memref_slice %arg4[%add3A_331, %dma_wait3A_337] : memref<819200x128xf32, #tpu.memory_space<hbm>> -> memref<128x128xf32, #tpu.memory_space<hbm>>
        %dma_wait3A_339 = arith.constant 0 : i32
        %dma_wait3A_340 = tpu.memref_slice %arg4[%add3A_331, %dma_wait3A_339] : memref<819200x128xf32, #tpu.memory_space<hbm>> -> memref<128x128xf32, #tpu.memory_space<hbm>>
        %dma_wait3A_341 = arith.constant 0 : i32
        %dma_wait3A_342 = arith.constant 0 : i32
        %dma_wait3A_343 = tpu.memref_slice %arg6[%dma_wait3A_332, %dma_wait3A_341, %dma_wait3A_342] : memref<5x128x128xf32, #tpu.memory_space<vmem>> -> memref<1x128x128xf32, #tpu.memory_space<vmem>>
        %dma_wait3A_344 = tpu.memref_squeeze %dma_wait3A_343 : memref<1x128x128xf32, #tpu.memory_space<vmem>> -> memref<128x128xf32, #tpu.memory_space<vmem>>
        tpu.wait_dma2 semaphore(%arg12 : memref<!tpu.dma_semaphore, #tpu.memory_space<semaphore_mem>>) src(%dma_wait3A_344 : memref<128x128xf32, #tpu.memory_space<vmem>>) dst(%dma_wait3A_340 : memref<128x128xf32, #tpu.memory_space<hbm>>)
        %add3A_345 = arith.constant 5 : i32
        %add3A_346 = arith.addi %add3A_145, %add3A_345 : i32
        %dma_start3A_347 = arith.constant 0 : i32
        %dma_start3A_348 = arith.constant 0 : i32
        %dma_start3A_349 = arith.constant 0 : i32
        %dma_start3A_350 = tpu.memref_slice %arg6[%dma_start3A_347, %dma_start3A_348, %dma_start3A_349] : memref<5x128x128xf32, #tpu.memory_space<vmem>> -> memref<1x128x128xf32, #tpu.memory_space<vmem>>
        %dma_start3A_351 = tpu.memref_squeeze %dma_start3A_350 : memref<1x128x128xf32, #tpu.memory_space<vmem>> -> memref<128x128xf32, #tpu.memory_space<vmem>>
        %dma_start3A_352 = arith.constant 0 : i32
        %dma_start3A_353 = tpu.memref_slice %arg5[%add3A_346, %dma_start3A_352] : memref<200x128xi32, #tpu.memory_space<vmem>> -> memref<1x128xi32, #tpu.memory_space<vmem>>
        %dma_start3A_354 = tpu.memref_squeeze %dma_start3A_353 : memref<1x128xi32, #tpu.memory_space<vmem>> -> memref<128xi32, #tpu.memory_space<vmem>>
        %dma_start3A_355 = arith.constant 0 : i32
        %dma_start3A_356 = arith.constant 0 : i32
        %dma_start3A_357 = tpu.memref_slice %arg3[%dma_start3A_355, %dma_start3A_356] : memref<1000000x128xf32, #tpu.memory_space<hbm>> -> memref<1000000x128xf32, #tpu.memory_space<hbm>>
        tpu.enqueue_indirect_dma source(%dma_start3A_357 : memref<1000000x128xf32, #tpu.memory_space<hbm>>) target(%dma_start3A_351 : memref<128x128xf32, #tpu.memory_space<vmem>>) offsets(%dma_start3A_354 : memref<128xi32, #tpu.memory_space<vmem>>) semaphore(%arg7 : memref<!tpu.dma_semaphore, #tpu.memory_space<semaphore_mem>>)
      } else {
      }
      %mul3A_177 = arith.constant 5 : i32
      %mul3A_178 = arith.muli %scan3A_141, %mul3A_177 : i32
      %add3A_179 = arith.constant 1 : i32
      %add3A_180 = arith.addi %mul3A_178, %add3A_179 : i32
      %dma_wait3A_181 = arith.constant 1 : i32
      %dma_wait3A_182 = arith.constant 0 : i32
      %dma_wait3A_183 = arith.constant 0 : i32
      %dma_wait3A_184 = tpu.memref_slice %arg6[%dma_wait3A_181, %dma_wait3A_182, %dma_wait3A_183] : memref<5x128x128xf32, #tpu.memory_space<vmem>> -> memref<1x128x128xf32, #tpu.memory_space<vmem>>
      %dma_wait3A_185 = tpu.memref_squeeze %dma_wait3A_184 : memref<1x128x128xf32, #tpu.memory_space<vmem>> -> memref<128x128xf32, #tpu.memory_space<vmem>>
      %dma_wait3A_186 = arith.constant 0 : i32
      %dma_wait3A_187 = tpu.memref_slice %arg5[%add3A_180, %dma_wait3A_186] : memref<200x128xi32, #tpu.memory_space<vmem>> -> memref<1x128xi32, #tpu.memory_space<vmem>>
      %dma_wait3A_188 = tpu.memref_squeeze %dma_wait3A_187 : memref<1x128xi32, #tpu.memory_space<vmem>> -> memref<128xi32, #tpu.memory_space<vmem>>
      %dma_wait3A_189 = arith.constant 0 : i32
      %dma_wait3A_190 = arith.constant 0 : i32
      %dma_wait3A_191 = tpu.memref_slice %arg3[%dma_wait3A_189, %dma_wait3A_190] : memref<1000000x128xf32, #tpu.memory_space<hbm>> -> memref<1000000x128xf32, #tpu.memory_space<hbm>>
      tpu.wait_indirect_dma semaphore(%arg8 : memref<!tpu.dma_semaphore, #tpu.memory_space<semaphore_mem>>) src(%dma_wait3A_191 : memref<1000000x128xf32, #tpu.memory_space<hbm>>) dst(%dma_wait3A_185 : memref<128x128xf32, #tpu.memory_space<vmem>>)
      %mul3A_192 = arith.constant 128 : i32
      %mul3A_193 = arith.muli %add3A_180, %mul3A_192 : i32
      %add3A_194 = arith.addi %mul3A_2, %mul3A_193 : i32
      %dma_start3A_195 = arith.constant 1 : i32
      %dma_start3A_196 = arith.constant 0 : i32
      %dma_start3A_197 = arith.constant 0 : i32
      %dma_start3A_198 = tpu.memref_slice %arg6[%dma_start3A_195, %dma_start3A_196, %dma_start3A_197] : memref<5x128x128xf32, #tpu.memory_space<vmem>> -> memref<1x128x128xf32, #tpu.memory_space<vmem>>
      %dma_start3A_199 = tpu.memref_squeeze %dma_start3A_198 : memref<1x128x128xf32, #tpu.memory_space<vmem>> -> memref<128x128xf32, #tpu.memory_space<vmem>>
      %dma_start3A_200 = arith.constant 0 : i32
      %dma_start3A_201 = tpu.memref_slice %arg4[%add3A_194, %dma_start3A_200] : memref<819200x128xf32, #tpu.memory_space<hbm>> -> memref<128x128xf32, #tpu.memory_space<hbm>>
      %dma_start3A_202 = arith.constant 0 : i32
      %dma_start3A_203 = tpu.memref_slice %arg4[%add3A_194, %dma_start3A_202] : memref<819200x128xf32, #tpu.memory_space<hbm>> -> memref<128x128xf32, #tpu.memory_space<hbm>>
      %dma_start3A_204 = arith.constant 0 : i32
      %dma_start3A_205 = arith.constant 0 : i32
      %dma_start3A_206 = tpu.memref_slice %arg6[%dma_start3A_195, %dma_start3A_204, %dma_start3A_205] : memref<5x128x128xf32, #tpu.memory_space<vmem>> -> memref<1x128x128xf32, #tpu.memory_space<vmem>>
      %dma_start3A_207 = tpu.memref_squeeze %dma_start3A_206 : memref<1x128x128xf32, #tpu.memory_space<vmem>> -> memref<128x128xf32, #tpu.memory_space<vmem>>
      tpu.enqueue_dma source(%dma_start3A_207 : memref<128x128xf32, #tpu.memory_space<vmem>>) target(%dma_start3A_203 : memref<128x128xf32, #tpu.memory_space<hbm>>) target_semaphore(%arg13 : memref<!tpu.dma_semaphore, #tpu.memory_space<semaphore_mem>>)
      %add3A_208 = arith.constant 5 : i32
      %add3A_209 = arith.addi %add3A_180, %add3A_208 : i32
      %lt3A_210 = arith.constant 200 : i32
      %lt3A_211 = arith.cmpi slt, %add3A_209, %lt3A_210 : i32
      %convert_element_type3A_212 = arith.extui %lt3A_211 : i1 to i32
      %cond3A_213 = arith.constant 0 : i32
      %cond3A_214 = arith.cmpi ne, %convert_element_type3A_212, %cond3A_213 : i32
      scf.if %cond3A_214 {
        %mul3A_329 = arith.constant 128 : i32
        %mul3A_330 = arith.muli %add3A_180, %mul3A_329 : i32
        %add3A_331 = arith.addi %mul3A_2, %mul3A_330 : i32
        %dma_wait3A_332 = arith.constant 1 : i32
        %dma_wait3A_333 = arith.constant 0 : i32
        %dma_wait3A_334 = arith.constant 0 : i32
        %dma_wait3A_335 = tpu.memref_slice %arg6[%dma_wait3A_332, %dma_wait3A_333, %dma_wait3A_334] : memref<5x128x128xf32, #tpu.memory_space<vmem>> -> memref<1x128x128xf32, #tpu.memory_space<vmem>>
        %dma_wait3A_336 = tpu.memref_squeeze %dma_wait3A_335 : memref<1x128x128xf32, #tpu.memory_space<vmem>> -> memref<128x128xf32, #tpu.memory_space<vmem>>
        %dma_wait3A_337 = arith.constant 0 : i32
        %dma_wait3A_338 = tpu.memref_slice %arg4[%add3A_331, %dma_wait3A_337] : memref<819200x128xf32, #tpu.memory_space<hbm>> -> memref<128x128xf32, #tpu.memory_space<hbm>>
        %dma_wait3A_339 = arith.constant 0 : i32
        %dma_wait3A_340 = tpu.memref_slice %arg4[%add3A_331, %dma_wait3A_339] : memref<819200x128xf32, #tpu.memory_space<hbm>> -> memref<128x128xf32, #tpu.memory_space<hbm>>
        %dma_wait3A_341 = arith.constant 0 : i32
        %dma_wait3A_342 = arith.constant 0 : i32
        %dma_wait3A_343 = tpu.memref_slice %arg6[%dma_wait3A_332, %dma_wait3A_341, %dma_wait3A_342] : memref<5x128x128xf32, #tpu.memory_space<vmem>> -> memref<1x128x128xf32, #tpu.memory_space<vmem>>
        %dma_wait3A_344 = tpu.memref_squeeze %dma_wait3A_343 : memref<1x128x128xf32, #tpu.memory_space<vmem>> -> memref<128x128xf32, #tpu.memory_space<vmem>>
        tpu.wait_dma2 semaphore(%arg13 : memref<!tpu.dma_semaphore, #tpu.memory_space<semaphore_mem>>) src(%dma_wait3A_344 : memref<128x128xf32, #tpu.memory_space<vmem>>) dst(%dma_wait3A_340 : memref<128x128xf32, #tpu.memory_space<hbm>>)
        %add3A_345 = arith.constant 5 : i32
        %add3A_346 = arith.addi %add3A_180, %add3A_345 : i32
        %dma_start3A_347 = arith.constant 1 : i32
        %dma_start3A_348 = arith.constant 0 : i32
        %dma_start3A_349 = arith.constant 0 : i32
        %dma_start3A_350 = tpu.memref_slice %arg6[%dma_start3A_347, %dma_start3A_348, %dma_start3A_349] : memref<5x128x128xf32, #tpu.memory_space<vmem>> -> memref<1x128x128xf32, #tpu.memory_space<vmem>>
        %dma_start3A_351 = tpu.memref_squeeze %dma_start3A_350 : memref<1x128x128xf32, #tpu.memory_space<vmem>> -> memref<128x128xf32, #tpu.memory_space<vmem>>
        %dma_start3A_352 = arith.constant 0 : i32
        %dma_start3A_353 = tpu.memref_slice %arg5[%add3A_346, %dma_start3A_352] : memref<200x128xi32, #tpu.memory_space<vmem>> -> memref<1x128xi32, #tpu.memory_space<vmem>>
        %dma_start3A_354 = tpu.memref_squeeze %dma_start3A_353 : memref<1x128xi32, #tpu.memory_space<vmem>> -> memref<128xi32, #tpu.memory_space<vmem>>
        %dma_start3A_355 = arith.constant 0 : i32
        %dma_start3A_356 = arith.constant 0 : i32
        %dma_start3A_357 = tpu.memref_slice %arg3[%dma_start3A_355, %dma_start3A_356] : memref<1000000x128xf32, #tpu.memory_space<hbm>> -> memref<1000000x128xf32, #tpu.memory_space<hbm>>
        tpu.enqueue_indirect_dma source(%dma_start3A_357 : memref<1000000x128xf32, #tpu.memory_space<hbm>>) target(%dma_start3A_351 : memref<128x128xf32, #tpu.memory_space<vmem>>) offsets(%dma_start3A_354 : memref<128xi32, #tpu.memory_space<vmem>>) semaphore(%arg8 : memref<!tpu.dma_semaphore, #tpu.memory_space<semaphore_mem>>)
      } else {
      }
      %mul3A_215 = arith.constant 5 : i32
      %mul3A_216 = arith.muli %scan3A_141, %mul3A_215 : i32
      %add3A_217 = arith.constant 2 : i32
      %add3A_218 = arith.addi %mul3A_216, %add3A_217 : i32
      %dma_wait3A_219 = arith.constant 2 : i32
      %dma_wait3A_220 = arith.constant 0 : i32
      %dma_wait3A_221 = arith.constant 0 : i32
      %dma_wait3A_222 = tpu.memref_slice %arg6[%dma_wait3A_219, %dma_wait3A_220, %dma_wait3A_221] : memref<5x128x128xf32, #tpu.memory_space<vmem>> -> memref<1x128x128xf32, #tpu.memory_space<vmem>>
      %dma_wait3A_223 = tpu.memref_squeeze %dma_wait3A_222 : memref<1x128x128xf32, #tpu.memory_space<vmem>> -> memref<128x128xf32, #tpu.memory_space<vmem>>
      %dma_wait3A_224 = arith.constant 0 : i32
      %dma_wait3A_225 = tpu.memref_slice %arg5[%add3A_218, %dma_wait3A_224] : memref<200x128xi32, #tpu.memory_space<vmem>> -> memref<1x128xi32, #tpu.memory_space<vmem>>
      %dma_wait3A_226 = tpu.memref_squeeze %dma_wait3A_225 : memref<1x128xi32, #tpu.memory_space<vmem>> -> memref<128xi32, #tpu.memory_space<vmem>>
      %dma_wait3A_227 = arith.constant 0 : i32
      %dma_wait3A_228 = arith.constant 0 : i32
      %dma_wait3A_229 = tpu.memref_slice %arg3[%dma_wait3A_227, %dma_wait3A_228] : memref<1000000x128xf32, #tpu.memory_space<hbm>> -> memref<1000000x128xf32, #tpu.memory_space<hbm>>
      tpu.wait_indirect_dma semaphore(%arg9 : memref<!tpu.dma_semaphore, #tpu.memory_space<semaphore_mem>>) src(%dma_wait3A_229 : memref<1000000x128xf32, #tpu.memory_space<hbm>>) dst(%dma_wait3A_223 : memref<128x128xf32, #tpu.memory_space<vmem>>)
      %mul3A_230 = arith.constant 128 : i32
      %mul3A_231 = arith.muli %add3A_218, %mul3A_230 : i32
      %add3A_232 = arith.addi %mul3A_2, %mul3A_231 : i32
      %dma_start3A_233 = arith.constant 2 : i32
      %dma_start3A_234 = arith.constant 0 : i32
      %dma_start3A_235 = arith.constant 0 : i32
      %dma_start3A_236 = tpu.memref_slice %arg6[%dma_start3A_233, %dma_start3A_234, %dma_start3A_235] : memref<5x128x128xf32, #tpu.memory_space<vmem>> -> memref<1x128x128xf32, #tpu.memory_space<vmem>>
      %dma_start3A_237 = tpu.memref_squeeze %dma_start3A_236 : memref<1x128x128xf32, #tpu.memory_space<vmem>> -> memref<128x128xf32, #tpu.memory_space<vmem>>
      %dma_start3A_238 = arith.constant 0 : i32
      %dma_start3A_239 = tpu.memref_slice %arg4[%add3A_232, %dma_start3A_238] : memref<819200x128xf32, #tpu.memory_space<hbm>> -> memref<128x128xf32, #tpu.memory_space<hbm>>
      %dma_start3A_240 = arith.constant 0 : i32
      %dma_start3A_241 = tpu.memref_slice %arg4[%add3A_232, %dma_start3A_240] : memref<819200x128xf32, #tpu.memory_space<hbm>> -> memref<128x128xf32, #tpu.memory_space<hbm>>
      %dma_start3A_242 = arith.constant 0 : i32
      %dma_start3A_243 = arith.constant 0 : i32
      %dma_start3A_244 = tpu.memref_slice %arg6[%dma_start3A_233, %dma_start3A_242, %dma_start3A_243] : memref<5x128x128xf32, #tpu.memory_space<vmem>> -> memref<1x128x128xf32, #tpu.memory_space<vmem>>
      %dma_start3A_245 = tpu.memref_squeeze %dma_start3A_244 : memref<1x128x128xf32, #tpu.memory_space<vmem>> -> memref<128x128xf32, #tpu.memory_space<vmem>>
      tpu.enqueue_dma source(%dma_start3A_245 : memref<128x128xf32, #tpu.memory_space<vmem>>) target(%dma_start3A_241 : memref<128x128xf32, #tpu.memory_space<hbm>>) target_semaphore(%arg14 : memref<!tpu.dma_semaphore, #tpu.memory_space<semaphore_mem>>)
      %add3A_246 = arith.constant 5 : i32
      %add3A_247 = arith.addi %add3A_218, %add3A_246 : i32
      %lt3A_248 = arith.constant 200 : i32
      %lt3A_249 = arith.cmpi slt, %add3A_247, %lt3A_248 : i32
      %convert_element_type3A_250 = arith.extui %lt3A_249 : i1 to i32
      %cond3A_251 = arith.constant 0 : i32
      %cond3A_252 = arith.cmpi ne, %convert_element_type3A_250, %cond3A_251 : i32
      scf.if %cond3A_252 {
        %mul3A_329 = arith.constant 128 : i32
        %mul3A_330 = arith.muli %add3A_218, %mul3A_329 : i32
        %add3A_331 = arith.addi %mul3A_2, %mul3A_330 : i32
        %dma_wait3A_332 = arith.constant 2 : i32
        %dma_wait3A_333 = arith.constant 0 : i32
        %dma_wait3A_334 = arith.constant 0 : i32
        %dma_wait3A_335 = tpu.memref_slice %arg6[%dma_wait3A_332, %dma_wait3A_333, %dma_wait3A_334] : memref<5x128x128xf32, #tpu.memory_space<vmem>> -> memref<1x128x128xf32, #tpu.memory_space<vmem>>
        %dma_wait3A_336 = tpu.memref_squeeze %dma_wait3A_335 : memref<1x128x128xf32, #tpu.memory_space<vmem>> -> memref<128x128xf32, #tpu.memory_space<vmem>>
        %dma_wait3A_337 = arith.constant 0 : i32
        %dma_wait3A_338 = tpu.memref_slice %arg4[%add3A_331, %dma_wait3A_337] : memref<819200x128xf32, #tpu.memory_space<hbm>> -> memref<128x128xf32, #tpu.memory_space<hbm>>
        %dma_wait3A_339 = arith.constant 0 : i32
        %dma_wait3A_340 = tpu.memref_slice %arg4[%add3A_331, %dma_wait3A_339] : memref<819200x128xf32, #tpu.memory_space<hbm>> -> memref<128x128xf32, #tpu.memory_space<hbm>>
        %dma_wait3A_341 = arith.constant 0 : i32
        %dma_wait3A_342 = arith.constant 0 : i32
        %dma_wait3A_343 = tpu.memref_slice %arg6[%dma_wait3A_332, %dma_wait3A_341, %dma_wait3A_342] : memref<5x128x128xf32, #tpu.memory_space<vmem>> -> memref<1x128x128xf32, #tpu.memory_space<vmem>>
        %dma_wait3A_344 = tpu.memref_squeeze %dma_wait3A_343 : memref<1x128x128xf32, #tpu.memory_space<vmem>> -> memref<128x128xf32, #tpu.memory_space<vmem>>
        tpu.wait_dma2 semaphore(%arg14 : memref<!tpu.dma_semaphore, #tpu.memory_space<semaphore_mem>>) src(%dma_wait3A_344 : memref<128x128xf32, #tpu.memory_space<vmem>>) dst(%dma_wait3A_340 : memref<128x128xf32, #tpu.memory_space<hbm>>)
        %add3A_345 = arith.constant 5 : i32
        %add3A_346 = arith.addi %add3A_218, %add3A_345 : i32
        %dma_start3A_347 = arith.constant 2 : i32
        %dma_start3A_348 = arith.constant 0 : i32
        %dma_start3A_349 = arith.constant 0 : i32
        %dma_start3A_350 = tpu.memref_slice %arg6[%dma_start3A_347, %dma_start3A_348, %dma_start3A_349] : memref<5x128x128xf32, #tpu.memory_space<vmem>> -> memref<1x128x128xf32, #tpu.memory_space<vmem>>
        %dma_start3A_351 = tpu.memref_squeeze %dma_start3A_350 : memref<1x128x128xf32, #tpu.memory_space<vmem>> -> memref<128x128xf32, #tpu.memory_space<vmem>>
        %dma_start3A_352 = arith.constant 0 : i32
        %dma_start3A_353 = tpu.memref_slice %arg5[%add3A_346, %dma_start3A_352] : memref<200x128xi32, #tpu.memory_space<vmem>> -> memref<1x128xi32, #tpu.memory_space<vmem>>
        %dma_start3A_354 = tpu.memref_squeeze %dma_start3A_353 : memref<1x128xi32, #tpu.memory_space<vmem>> -> memref<128xi32, #tpu.memory_space<vmem>>
        %dma_start3A_355 = arith.constant 0 : i32
        %dma_start3A_356 = arith.constant 0 : i32
        %dma_start3A_357 = tpu.memref_slice %arg3[%dma_start3A_355, %dma_start3A_356] : memref<1000000x128xf32, #tpu.memory_space<hbm>> -> memref<1000000x128xf32, #tpu.memory_space<hbm>>
        tpu.enqueue_indirect_dma source(%dma_start3A_357 : memref<1000000x128xf32, #tpu.memory_space<hbm>>) target(%dma_start3A_351 : memref<128x128xf32, #tpu.memory_space<vmem>>) offsets(%dma_start3A_354 : memref<128xi32, #tpu.memory_space<vmem>>) semaphore(%arg9 : memref<!tpu.dma_semaphore, #tpu.memory_space<semaphore_mem>>)
      } else {
      }
      %mul3A_253 = arith.constant 5 : i32
      %mul3A_254 = arith.muli %scan3A_141, %mul3A_253 : i32
      %add3A_255 = arith.constant 3 : i32
      %add3A_256 = arith.addi %mul3A_254, %add3A_255 : i32
      %dma_wait3A_257 = arith.constant 3 : i32
      %dma_wait3A_258 = arith.constant 0 : i32
      %dma_wait3A_259 = arith.constant 0 : i32
      %dma_wait3A_260 = tpu.memref_slice %arg6[%dma_wait3A_257, %dma_wait3A_258, %dma_wait3A_259] : memref<5x128x128xf32, #tpu.memory_space<vmem>> -> memref<1x128x128xf32, #tpu.memory_space<vmem>>
      %dma_wait3A_261 = tpu.memref_squeeze %dma_wait3A_260 : memref<1x128x128xf32, #tpu.memory_space<vmem>> -> memref<128x128xf32, #tpu.memory_space<vmem>>
      %dma_wait3A_262 = arith.constant 0 : i32
      %dma_wait3A_263 = tpu.memref_slice %arg5[%add3A_256, %dma_wait3A_262] : memref<200x128xi32, #tpu.memory_space<vmem>> -> memref<1x128xi32, #tpu.memory_space<vmem>>
      %dma_wait3A_264 = tpu.memref_squeeze %dma_wait3A_263 : memref<1x128xi32, #tpu.memory_space<vmem>> -> memref<128xi32, #tpu.memory_space<vmem>>
      %dma_wait3A_265 = arith.constant 0 : i32
      %dma_wait3A_266 = arith.constant 0 : i32
      %dma_wait3A_267 = tpu.memref_slice %arg3[%dma_wait3A_265, %dma_wait3A_266] : memref<1000000x128xf32, #tpu.memory_space<hbm>> -> memref<1000000x128xf32, #tpu.memory_space<hbm>>
      tpu.wait_indirect_dma semaphore(%arg10 : memref<!tpu.dma_semaphore, #tpu.memory_space<semaphore_mem>>) src(%dma_wait3A_267 : memref<1000000x128xf32, #tpu.memory_space<hbm>>) dst(%dma_wait3A_261 : memref<128x128xf32, #tpu.memory_space<vmem>>)
      %mul3A_268 = arith.constant 128 : i32
      %mul3A_269 = arith.muli %add3A_256, %mul3A_268 : i32
      %add3A_270 = arith.addi %mul3A_2, %mul3A_269 : i32
      %dma_start3A_271 = arith.constant 3 : i32
      %dma_start3A_272 = arith.constant 0 : i32
      %dma_start3A_273 = arith.constant 0 : i32
      %dma_start3A_274 = tpu.memref_slice %arg6[%dma_start3A_271, %dma_start3A_272, %dma_start3A_273] : memref<5x128x128xf32, #tpu.memory_space<vmem>> -> memref<1x128x128xf32, #tpu.memory_space<vmem>>
      %dma_start3A_275 = tpu.memref_squeeze %dma_start3A_274 : memref<1x128x128xf32, #tpu.memory_space<vmem>> -> memref<128x128xf32, #tpu.memory_space<vmem>>
      %dma_start3A_276 = arith.constant 0 : i32
      %dma_start3A_277 = tpu.memref_slice %arg4[%add3A_270, %dma_start3A_276] : memref<819200x128xf32, #tpu.memory_space<hbm>> -> memref<128x128xf32, #tpu.memory_space<hbm>>
      %dma_start3A_278 = arith.constant 0 : i32
      %dma_start3A_279 = tpu.memref_slice %arg4[%add3A_270, %dma_start3A_278] : memref<819200x128xf32, #tpu.memory_space<hbm>> -> memref<128x128xf32, #tpu.memory_space<hbm>>
      %dma_start3A_280 = arith.constant 0 : i32
      %dma_start3A_281 = arith.constant 0 : i32
      %dma_start3A_282 = tpu.memref_slice %arg6[%dma_start3A_271, %dma_start3A_280, %dma_start3A_281] : memref<5x128x128xf32, #tpu.memory_space<vmem>> -> memref<1x128x128xf32, #tpu.memory_space<vmem>>
      %dma_start3A_283 = tpu.memref_squeeze %dma_start3A_282 : memref<1x128x128xf32, #tpu.memory_space<vmem>> -> memref<128x128xf32, #tpu.memory_space<vmem>>
      tpu.enqueue_dma source(%dma_start3A_283 : memref<128x128xf32, #tpu.memory_space<vmem>>) target(%dma_start3A_279 : memref<128x128xf32, #tpu.memory_space<hbm>>) target_semaphore(%arg15 : memref<!tpu.dma_semaphore, #tpu.memory_space<semaphore_mem>>)
      %add3A_284 = arith.constant 5 : i32
      %add3A_285 = arith.addi %add3A_256, %add3A_284 : i32
      %lt3A_286 = arith.constant 200 : i32
      %lt3A_287 = arith.cmpi slt, %add3A_285, %lt3A_286 : i32
      %convert_element_type3A_288 = arith.extui %lt3A_287 : i1 to i32
      %cond3A_289 = arith.constant 0 : i32
      %cond3A_290 = arith.cmpi ne, %convert_element_type3A_288, %cond3A_289 : i32
      scf.if %cond3A_290 {
        %mul3A_329 = arith.constant 128 : i32
        %mul3A_330 = arith.muli %add3A_256, %mul3A_329 : i32
        %add3A_331 = arith.addi %mul3A_2, %mul3A_330 : i32
        %dma_wait3A_332 = arith.constant 3 : i32
        %dma_wait3A_333 = arith.constant 0 : i32
        %dma_wait3A_334 = arith.constant 0 : i32
        %dma_wait3A_335 = tpu.memref_slice %arg6[%dma_wait3A_332, %dma_wait3A_333, %dma_wait3A_334] : memref<5x128x128xf32, #tpu.memory_space<vmem>> -> memref<1x128x128xf32, #tpu.memory_space<vmem>>
        %dma_wait3A_336 = tpu.memref_squeeze %dma_wait3A_335 : memref<1x128x128xf32, #tpu.memory_space<vmem>> -> memref<128x128xf32, #tpu.memory_space<vmem>>
        %dma_wait3A_337 = arith.constant 0 : i32
        %dma_wait3A_338 = tpu.memref_slice %arg4[%add3A_331, %dma_wait3A_337] : memref<819200x128xf32, #tpu.memory_space<hbm>> -> memref<128x128xf32, #tpu.memory_space<hbm>>
        %dma_wait3A_339 = arith.constant 0 : i32
        %dma_wait3A_340 = tpu.memref_slice %arg4[%add3A_331, %dma_wait3A_339] : memref<819200x128xf32, #tpu.memory_space<hbm>> -> memref<128x128xf32, #tpu.memory_space<hbm>>
        %dma_wait3A_341 = arith.constant 0 : i32
        %dma_wait3A_342 = arith.constant 0 : i32
        %dma_wait3A_343 = tpu.memref_slice %arg6[%dma_wait3A_332, %dma_wait3A_341, %dma_wait3A_342] : memref<5x128x128xf32, #tpu.memory_space<vmem>> -> memref<1x128x128xf32, #tpu.memory_space<vmem>>
        %dma_wait3A_344 = tpu.memref_squeeze %dma_wait3A_343 : memref<1x128x128xf32, #tpu.memory_space<vmem>> -> memref<128x128xf32, #tpu.memory_space<vmem>>
        tpu.wait_dma2 semaphore(%arg15 : memref<!tpu.dma_semaphore, #tpu.memory_space<semaphore_mem>>) src(%dma_wait3A_344 : memref<128x128xf32, #tpu.memory_space<vmem>>) dst(%dma_wait3A_340 : memref<128x128xf32, #tpu.memory_space<hbm>>)
        %add3A_345 = arith.constant 5 : i32
        %add3A_346 = arith.addi %add3A_256, %add3A_345 : i32
        %dma_start3A_347 = arith.constant 3 : i32
        %dma_start3A_348 = arith.constant 0 : i32
        %dma_start3A_349 = arith.constant 0 : i32
        %dma_start3A_350 = tpu.memref_slice %arg6[%dma_start3A_347, %dma_start3A_348, %dma_start3A_349] : memref<5x128x128xf32, #tpu.memory_space<vmem>> -> memref<1x128x128xf32, #tpu.memory_space<vmem>>
        %dma_start3A_351 = tpu.memref_squeeze %dma_start3A_350 : memref<1x128x128xf32, #tpu.memory_space<vmem>> -> memref<128x128xf32, #tpu.memory_space<vmem>>
        %dma_start3A_352 = arith.constant 0 : i32
        %dma_start3A_353 = tpu.memref_slice %arg5[%add3A_346, %dma_start3A_352] : memref<200x128xi32, #tpu.memory_space<vmem>> -> memref<1x128xi32, #tpu.memory_space<vmem>>
        %dma_start3A_354 = tpu.memref_squeeze %dma_start3A_353 : memref<1x128xi32, #tpu.memory_space<vmem>> -> memref<128xi32, #tpu.memory_space<vmem>>
        %dma_start3A_355 = arith.constant 0 : i32
        %dma_start3A_356 = arith.constant 0 : i32
        %dma_start3A_357 = tpu.memref_slice %arg3[%dma_start3A_355, %dma_start3A_356] : memref<1000000x128xf32, #tpu.memory_space<hbm>> -> memref<1000000x128xf32, #tpu.memory_space<hbm>>
        tpu.enqueue_indirect_dma source(%dma_start3A_357 : memref<1000000x128xf32, #tpu.memory_space<hbm>>) target(%dma_start3A_351 : memref<128x128xf32, #tpu.memory_space<vmem>>) offsets(%dma_start3A_354 : memref<128xi32, #tpu.memory_space<vmem>>) semaphore(%arg10 : memref<!tpu.dma_semaphore, #tpu.memory_space<semaphore_mem>>)
      } else {
      }
      %mul3A_291 = arith.constant 5 : i32
      %mul3A_292 = arith.muli %scan3A_141, %mul3A_291 : i32
      %add3A_293 = arith.constant 4 : i32
      %add3A_294 = arith.addi %mul3A_292, %add3A_293 : i32
      %dma_wait3A_295 = arith.constant 4 : i32
      %dma_wait3A_296 = arith.constant 0 : i32
      %dma_wait3A_297 = arith.constant 0 : i32
      %dma_wait3A_298 = tpu.memref_slice %arg6[%dma_wait3A_295, %dma_wait3A_296, %dma_wait3A_297] : memref<5x128x128xf32, #tpu.memory_space<vmem>> -> memref<1x128x128xf32, #tpu.memory_space<vmem>>
      %dma_wait3A_299 = tpu.memref_squeeze %dma_wait3A_298 : memref<1x128x128xf32, #tpu.memory_space<vmem>> -> memref<128x128xf32, #tpu.memory_space<vmem>>
      %dma_wait3A_300 = arith.constant 0 : i32
      %dma_wait3A_301 = tpu.memref_slice %arg5[%add3A_294, %dma_wait3A_300] : memref<200x128xi32, #tpu.memory_space<vmem>> -> memref<1x128xi32, #tpu.memory_space<vmem>>
      %dma_wait3A_302 = tpu.memref_squeeze %dma_wait3A_301 : memref<1x128xi32, #tpu.memory_space<vmem>> -> memref<128xi32, #tpu.memory_space<vmem>>
      %dma_wait3A_303 = arith.constant 0 : i32
      %dma_wait3A_304 = arith.constant 0 : i32
      %dma_wait3A_305 = tpu.memref_slice %arg3[%dma_wait3A_303, %dma_wait3A_304] : memref<1000000x128xf32, #tpu.memory_space<hbm>> -> memref<1000000x128xf32, #tpu.memory_space<hbm>>
      tpu.wait_indirect_dma semaphore(%arg11 : memref<!tpu.dma_semaphore, #tpu.memory_space<semaphore_mem>>) src(%dma_wait3A_305 : memref<1000000x128xf32, #tpu.memory_space<hbm>>) dst(%dma_wait3A_299 : memref<128x128xf32, #tpu.memory_space<vmem>>)
      %mul3A_306 = arith.constant 128 : i32
      %mul3A_307 = arith.muli %add3A_294, %mul3A_306 : i32
      %add3A_308 = arith.addi %mul3A_2, %mul3A_307 : i32
      %dma_start3A_309 = arith.constant 4 : i32
      %dma_start3A_310 = arith.constant 0 : i32
      %dma_start3A_311 = arith.constant 0 : i32
      %dma_start3A_312 = tpu.memref_slice %arg6[%dma_start3A_309, %dma_start3A_310, %dma_start3A_311] : memref<5x128x128xf32, #tpu.memory_space<vmem>> -> memref<1x128x128xf32, #tpu.memory_space<vmem>>
      %dma_start3A_313 = tpu.memref_squeeze %dma_start3A_312 : memref<1x128x128xf32, #tpu.memory_space<vmem>> -> memref<128x128xf32, #tpu.memory_space<vmem>>
      %dma_start3A_314 = arith.constant 0 : i32
      %dma_start3A_315 = tpu.memref_slice %arg4[%add3A_308, %dma_start3A_314] : memref<819200x128xf32, #tpu.memory_space<hbm>> -> memref<128x128xf32, #tpu.memory_space<hbm>>
      %dma_start3A_316 = arith.constant 0 : i32
      %dma_start3A_317 = tpu.memref_slice %arg4[%add3A_308, %dma_start3A_316] : memref<819200x128xf32, #tpu.memory_space<hbm>> -> memref<128x128xf32, #tpu.memory_space<hbm>>
      %dma_start3A_318 = arith.constant 0 : i32
      %dma_start3A_319 = arith.constant 0 : i32
      %dma_start3A_320 = tpu.memref_slice %arg6[%dma_start3A_309, %dma_start3A_318, %dma_start3A_319] : memref<5x128x128xf32, #tpu.memory_space<vmem>> -> memref<1x128x128xf32, #tpu.memory_space<vmem>>
      %dma_start3A_321 = tpu.memref_squeeze %dma_start3A_320 : memref<1x128x128xf32, #tpu.memory_space<vmem>> -> memref<128x128xf32, #tpu.memory_space<vmem>>
      tpu.enqueue_dma source(%dma_start3A_321 : memref<128x128xf32, #tpu.memory_space<vmem>>) target(%dma_start3A_317 : memref<128x128xf32, #tpu.memory_space<hbm>>) target_semaphore(%arg16 : memref<!tpu.dma_semaphore, #tpu.memory_space<semaphore_mem>>)
      %add3A_322 = arith.constant 5 : i32
      %add3A_323 = arith.addi %add3A_294, %add3A_322 : i32
      %lt3A_324 = arith.constant 200 : i32
      %lt3A_325 = arith.cmpi slt, %add3A_323, %lt3A_324 : i32
      %convert_element_type3A_326 = arith.extui %lt3A_325 : i1 to i32
      %cond3A_327 = arith.constant 0 : i32
      %cond3A_328 = arith.cmpi ne, %convert_element_type3A_326, %cond3A_327 : i32
      scf.if %cond3A_328 {
        %mul3A_329 = arith.constant 128 : i32
        %mul3A_330 = arith.muli %add3A_294, %mul3A_329 : i32
        %add3A_331 = arith.addi %mul3A_2, %mul3A_330 : i32
        %dma_wait3A_332 = arith.constant 4 : i32
        %dma_wait3A_333 = arith.constant 0 : i32
        %dma_wait3A_334 = arith.constant 0 : i32
        %dma_wait3A_335 = tpu.memref_slice %arg6[%dma_wait3A_332, %dma_wait3A_333, %dma_wait3A_334] : memref<5x128x128xf32, #tpu.memory_space<vmem>> -> memref<1x128x128xf32, #tpu.memory_space<vmem>>
        %dma_wait3A_336 = tpu.memref_squeeze %dma_wait3A_335 : memref<1x128x128xf32, #tpu.memory_space<vmem>> -> memref<128x128xf32, #tpu.memory_space<vmem>>
        %dma_wait3A_337 = arith.constant 0 : i32
        %dma_wait3A_338 = tpu.memref_slice %arg4[%add3A_331, %dma_wait3A_337] : memref<819200x128xf32, #tpu.memory_space<hbm>> -> memref<128x128xf32, #tpu.memory_space<hbm>>
        %dma_wait3A_339 = arith.constant 0 : i32
        %dma_wait3A_340 = tpu.memref_slice %arg4[%add3A_331, %dma_wait3A_339] : memref<819200x128xf32, #tpu.memory_space<hbm>> -> memref<128x128xf32, #tpu.memory_space<hbm>>
        %dma_wait3A_341 = arith.constant 0 : i32
        %dma_wait3A_342 = arith.constant 0 : i32
        %dma_wait3A_343 = tpu.memref_slice %arg6[%dma_wait3A_332, %dma_wait3A_341, %dma_wait3A_342] : memref<5x128x128xf32, #tpu.memory_space<vmem>> -> memref<1x128x128xf32, #tpu.memory_space<vmem>>
        %dma_wait3A_344 = tpu.memref_squeeze %dma_wait3A_343 : memref<1x128x128xf32, #tpu.memory_space<vmem>> -> memref<128x128xf32, #tpu.memory_space<vmem>>
        tpu.wait_dma2 semaphore(%arg16 : memref<!tpu.dma_semaphore, #tpu.memory_space<semaphore_mem>>) src(%dma_wait3A_344 : memref<128x128xf32, #tpu.memory_space<vmem>>) dst(%dma_wait3A_340 : memref<128x128xf32, #tpu.memory_space<hbm>>)
        %add3A_345 = arith.constant 5 : i32
        %add3A_346 = arith.addi %add3A_294, %add3A_345 : i32
        %dma_start3A_347 = arith.constant 4 : i32
        %dma_start3A_348 = arith.constant 0 : i32
        %dma_start3A_349 = arith.constant 0 : i32
        %dma_start3A_350 = tpu.memref_slice %arg6[%dma_start3A_347, %dma_start3A_348, %dma_start3A_349] : memref<5x128x128xf32, #tpu.memory_space<vmem>> -> memref<1x128x128xf32, #tpu.memory_space<vmem>>
        %dma_start3A_351 = tpu.memref_squeeze %dma_start3A_350 : memref<1x128x128xf32, #tpu.memory_space<vmem>> -> memref<128x128xf32, #tpu.memory_space<vmem>>
        %dma_start3A_352 = arith.constant 0 : i32
        %dma_start3A_353 = tpu.memref_slice %arg5[%add3A_346, %dma_start3A_352] : memref<200x128xi32, #tpu.memory_space<vmem>> -> memref<1x128xi32, #tpu.memory_space<vmem>>
        %dma_start3A_354 = tpu.memref_squeeze %dma_start3A_353 : memref<1x128xi32, #tpu.memory_space<vmem>> -> memref<128xi32, #tpu.memory_space<vmem>>
        %dma_start3A_355 = arith.constant 0 : i32
        %dma_start3A_356 = arith.constant 0 : i32
        %dma_start3A_357 = tpu.memref_slice %arg3[%dma_start3A_355, %dma_start3A_356] : memref<1000000x128xf32, #tpu.memory_space<hbm>> -> memref<1000000x128xf32, #tpu.memory_space<hbm>>
        tpu.enqueue_indirect_dma source(%dma_start3A_357 : memref<1000000x128xf32, #tpu.memory_space<hbm>>) target(%dma_start3A_351 : memref<128x128xf32, #tpu.memory_space<vmem>>) offsets(%dma_start3A_354 : memref<128xi32, #tpu.memory_space<vmem>>) semaphore(%arg11 : memref<!tpu.dma_semaphore, #tpu.memory_space<semaphore_mem>>)
      } else {
      }
    }
    %scan3A_66 = arith.constant 40 : i32
    %add3A_67 = arith.constant 24960 : i32
    %add3A_68 = arith.addi %mul3A_2, %add3A_67 : i32
    %dma_wait3A = arith.constant 0 : i32
    %dma_wait3A_69 = arith.constant 0 : i32
    %dma_wait3A_70 = arith.constant 0 : i32
    %dma_wait3A_71 = tpu.memref_slice %arg6[%dma_wait3A, %dma_wait3A_69, %dma_wait3A_70] : memref<5x128x128xf32, #tpu.memory_space<vmem>> -> memref<1x128x128xf32, #tpu.memory_space<vmem>>
    %dma_wait3A_72 = tpu.memref_squeeze %dma_wait3A_71 : memref<1x128x128xf32, #tpu.memory_space<vmem>> -> memref<128x128xf32, #tpu.memory_space<vmem>>
    %dma_wait3A_73 = arith.constant 0 : i32
    %dma_wait3A_74 = tpu.memref_slice %arg4[%add3A_68, %dma_wait3A_73] : memref<819200x128xf32, #tpu.memory_space<hbm>> -> memref<128x128xf32, #tpu.memory_space<hbm>>
    %dma_wait3A_75 = arith.constant 0 : i32
    %dma_wait3A_76 = tpu.memref_slice %arg4[%add3A_68, %dma_wait3A_75] : memref<819200x128xf32, #tpu.memory_space<hbm>> -> memref<128x128xf32, #tpu.memory_space<hbm>>
    %dma_wait3A_77 = arith.constant 0 : i32
    %dma_wait3A_78 = arith.constant 0 : i32
    %dma_wait3A_79 = tpu.memref_slice %arg6[%dma_wait3A, %dma_wait3A_77, %dma_wait3A_78] : memref<5x128x128xf32, #tpu.memory_space<vmem>> -> memref<1x128x128xf32, #tpu.memory_space<vmem>>
    %dma_wait3A_80 = tpu.memref_squeeze %dma_wait3A_79 : memref<1x128x128xf32, #tpu.memory_space<vmem>> -> memref<128x128xf32, #tpu.memory_space<vmem>>
    tpu.wait_dma2 semaphore(%arg12 : memref<!tpu.dma_semaphore, #tpu.memory_space<semaphore_mem>>) src(%dma_wait3A_80 : memref<128x128xf32, #tpu.memory_space<vmem>>) dst(%dma_wait3A_76 : memref<128x128xf32, #tpu.memory_space<hbm>>)
    %add3A_81 = arith.constant 25088 : i32
    %add3A_82 = arith.addi %mul3A_2, %add3A_81 : i32
    %dma_wait3A_83 = arith.constant 1 : i32
    %dma_wait3A_84 = arith.constant 0 : i32
    %dma_wait3A_85 = arith.constant 0 : i32
    %dma_wait3A_86 = tpu.memref_slice %arg6[%dma_wait3A_83, %dma_wait3A_84, %dma_wait3A_85] : memref<5x128x128xf32, #tpu.memory_space<vmem>> -> memref<1x128x128xf32, #tpu.memory_space<vmem>>
    %dma_wait3A_87 = tpu.memref_squeeze %dma_wait3A_86 : memref<1x128x128xf32, #tpu.memory_space<vmem>> -> memref<128x128xf32, #tpu.memory_space<vmem>>
    %dma_wait3A_88 = arith.constant 0 : i32
    %dma_wait3A_89 = tpu.memref_slice %arg4[%add3A_82, %dma_wait3A_88] : memref<819200x128xf32, #tpu.memory_space<hbm>> -> memref<128x128xf32, #tpu.memory_space<hbm>>
    %dma_wait3A_90 = arith.constant 0 : i32
    %dma_wait3A_91 = tpu.memref_slice %arg4[%add3A_82, %dma_wait3A_90] : memref<819200x128xf32, #tpu.memory_space<hbm>> -> memref<128x128xf32, #tpu.memory_space<hbm>>
    %dma_wait3A_92 = arith.constant 0 : i32
    %dma_wait3A_93 = arith.constant 0 : i32
    %dma_wait3A_94 = tpu.memref_slice %arg6[%dma_wait3A_83, %dma_wait3A_92, %dma_wait3A_93] : memref<5x128x128xf32, #tpu.memory_space<vmem>> -> memref<1x128x128xf32, #tpu.memory_space<vmem>>
    %dma_wait3A_95 = tpu.memref_squeeze %dma_wait3A_94 : memref<1x128x128xf32, #tpu.memory_space<vmem>> -> memref<128x128xf32, #tpu.memory_space<vmem>>
    tpu.wait_dma2 semaphore(%arg13 : memref<!tpu.dma_semaphore, #tpu.memory_space<semaphore_mem>>) src(%dma_wait3A_95 : memref<128x128xf32, #tpu.memory_space<vmem>>) dst(%dma_wait3A_91 : memref<128x128xf32, #tpu.memory_space<hbm>>)
    %add3A_96 = arith.constant 25216 : i32
    %add3A_97 = arith.addi %mul3A_2, %add3A_96 : i32
    %dma_wait3A_98 = arith.constant 2 : i32
    %dma_wait3A_99 = arith.constant 0 : i32
    %dma_wait3A_100 = arith.constant 0 : i32
    %dma_wait3A_101 = tpu.memref_slice %arg6[%dma_wait3A_98, %dma_wait3A_99, %dma_wait3A_100] : memref<5x128x128xf32, #tpu.memory_space<vmem>> -> memref<1x128x128xf32, #tpu.memory_space<vmem>>
    %dma_wait3A_102 = tpu.memref_squeeze %dma_wait3A_101 : memref<1x128x128xf32, #tpu.memory_space<vmem>> -> memref<128x128xf32, #tpu.memory_space<vmem>>
    %dma_wait3A_103 = arith.constant 0 : i32
    %dma_wait3A_104 = tpu.memref_slice %arg4[%add3A_97, %dma_wait3A_103] : memref<819200x128xf32, #tpu.memory_space<hbm>> -> memref<128x128xf32, #tpu.memory_space<hbm>>
    %dma_wait3A_105 = arith.constant 0 : i32
    %dma_wait3A_106 = tpu.memref_slice %arg4[%add3A_97, %dma_wait3A_105] : memref<819200x128xf32, #tpu.memory_space<hbm>> -> memref<128x128xf32, #tpu.memory_space<hbm>>
    %dma_wait3A_107 = arith.constant 0 : i32
    %dma_wait3A_108 = arith.constant 0 : i32
    %dma_wait3A_109 = tpu.memref_slice %arg6[%dma_wait3A_98, %dma_wait3A_107, %dma_wait3A_108] : memref<5x128x128xf32, #tpu.memory_space<vmem>> -> memref<1x128x128xf32, #tpu.memory_space<vmem>>
    %dma_wait3A_110 = tpu.memref_squeeze %dma_wait3A_109 : memref<1x128x128xf32, #tpu.memory_space<vmem>> -> memref<128x128xf32, #tpu.memory_space<vmem>>
    tpu.wait_dma2 semaphore(%arg14 : memref<!tpu.dma_semaphore, #tpu.memory_space<semaphore_mem>>) src(%dma_wait3A_110 : memref<128x128xf32, #tpu.memory_space<vmem>>) dst(%dma_wait3A_106 : memref<128x128xf32, #tpu.memory_space<hbm>>)
    %add3A_111 = arith.constant 25344 : i32
    %add3A_112 = arith.addi %mul3A_2, %add3A_111 : i32
    %dma_wait3A_113 = arith.constant 3 : i32
    %dma_wait3A_114 = arith.constant 0 : i32
    %dma_wait3A_115 = arith.constant 0 : i32
    %dma_wait3A_116 = tpu.memref_slice %arg6[%dma_wait3A_113, %dma_wait3A_114, %dma_wait3A_115] : memref<5x128x128xf32, #tpu.memory_space<vmem>> -> memref<1x128x128xf32, #tpu.memory_space<vmem>>
    %dma_wait3A_117 = tpu.memref_squeeze %dma_wait3A_116 : memref<1x128x128xf32, #tpu.memory_space<vmem>> -> memref<128x128xf32, #tpu.memory_space<vmem>>
    %dma_wait3A_118 = arith.constant 0 : i32
    %dma_wait3A_119 = tpu.memref_slice %arg4[%add3A_112, %dma_wait3A_118] : memref<819200x128xf32, #tpu.memory_space<hbm>> -> memref<128x128xf32, #tpu.memory_space<hbm>>
    %dma_wait3A_120 = arith.constant 0 : i32
    %dma_wait3A_121 = tpu.memref_slice %arg4[%add3A_112, %dma_wait3A_120] : memref<819200x128xf32, #tpu.memory_space<hbm>> -> memref<128x128xf32, #tpu.memory_space<hbm>>
    %dma_wait3A_122 = arith.constant 0 : i32
    %dma_wait3A_123 = arith.constant 0 : i32
    %dma_wait3A_124 = tpu.memref_slice %arg6[%dma_wait3A_113, %dma_wait3A_122, %dma_wait3A_123] : memref<5x128x128xf32, #tpu.memory_space<vmem>> -> memref<1x128x128xf32, #tpu.memory_space<vmem>>
    %dma_wait3A_125 = tpu.memref_squeeze %dma_wait3A_124 : memref<1x128x128xf32, #tpu.memory_space<vmem>> -> memref<128x128xf32, #tpu.memory_space<vmem>>
    tpu.wait_dma2 semaphore(%arg15 : memref<!tpu.dma_semaphore, #tpu.memory_space<semaphore_mem>>) src(%dma_wait3A_125 : memref<128x128xf32, #tpu.memory_space<vmem>>) dst(%dma_wait3A_121 : memref<128x128xf32, #tpu.memory_space<hbm>>)
    %add3A_126 = arith.constant 25472 : i32
    %add3A_127 = arith.addi %mul3A_2, %add3A_126 : i32
    %dma_wait3A_128 = arith.constant 4 : i32
    %dma_wait3A_129 = arith.constant 0 : i32
    %dma_wait3A_130 = arith.constant 0 : i32
    %dma_wait3A_131 = tpu.memref_slice %arg6[%dma_wait3A_128, %dma_wait3A_129, %dma_wait3A_130] : memref<5x128x128xf32, #tpu.memory_space<vmem>> -> memref<1x128x128xf32, #tpu.memory_space<vmem>>
    %dma_wait3A_132 = tpu.memref_squeeze %dma_wait3A_131 : memref<1x128x128xf32, #tpu.memory_space<vmem>> -> memref<128x128xf32, #tpu.memory_space<vmem>>
    %dma_wait3A_133 = arith.constant 0 : i32
    %dma_wait3A_134 = tpu.memref_slice %arg4[%add3A_127, %dma_wait3A_133] : memref<819200x128xf32, #tpu.memory_space<hbm>> -> memref<128x128xf32, #tpu.memory_space<hbm>>
    %dma_wait3A_135 = arith.constant 0 : i32
    %dma_wait3A_136 = tpu.memref_slice %arg4[%add3A_127, %dma_wait3A_135] : memref<819200x128xf32, #tpu.memory_space<hbm>> -> memref<128x128xf32, #tpu.memory_space<hbm>>
    %dma_wait3A_137 = arith.constant 0 : i32
    %dma_wait3A_138 = arith.constant 0 : i32
    %dma_wait3A_139 = tpu.memref_slice %arg6[%dma_wait3A_128, %dma_wait3A_137, %dma_wait3A_138] : memref<5x128x128xf32, #tpu.memory_space<vmem>> -> memref<1x128x128xf32, #tpu.memory_space<vmem>>
    %dma_wait3A_140 = tpu.memref_squeeze %dma_wait3A_139 : memref<1x128x128xf32, #tpu.memory_space<vmem>> -> memref<128x128xf32, #tpu.memory_space<vmem>>
    tpu.wait_dma2 semaphore(%arg16 : memref<!tpu.dma_semaphore, #tpu.memory_space<semaphore_mem>>) src(%dma_wait3A_140 : memref<128x128xf32, #tpu.memory_space<vmem>>) dst(%dma_wait3A_136 : memref<128x128xf32, #tpu.memory_space<hbm>>)
    return
  }
}

module attributes {stable_mosaic.version = 14 : i64} {
  func.func @body(%arg0: i32, %arg1: memref<50x4096xf32, #tpu.memory_space<vmem>>, %arg2: memref<4096x128xf32, #tpu.memory_space<vmem>>) attributes {dimension_semantics = [#tpu.dimension_semantics<arbitrary>], iteration_bounds = array<i64: 245>, scalar_prefetch = 0 : i64, scratch_operands = 0 : i64, tpu.core_type = #tpu.core_type<tc>, window_params = [{transform_indices = @transform_0, window_bounds = array<i64: 50, 4096>}, {transform_indices = @transform_1, window_bounds = array<i64: 4096, 128>}]} {
    %get3A = arith.constant 0 : index
    %get3A_0 = arith.constant 0 : index
    %get3A_1 = vector.load %arg1[%get3A, %get3A_0] : memref<50x4096xf32, #tpu.memory_space<vmem>>, vector<50x4096xf32>
    %transpose3A = tpu.transpose %get3A_1, [1, 0] : vector<50x4096xf32> -> vector<4096x50xf32>
    %broadcast_in_dim3A = arith.constant 0.000000e+00 : f32
    %broadcast_in_dim3A_2 = vector.broadcast %broadcast_in_dim3A : f32 to vector<4096x78xf32>
    %concatenate3A = tpu.concatenate %transpose3A, %broadcast_in_dim3A_2 in 1 : vector<4096x50xf32>, vector<4096x78xf32> -> vector<4096x128xf32>
    %swap3A = arith.constant 0 : index
    %swap3A_3 = arith.constant 0 : index
    %swap3A_4 = vector.load %arg2[%swap3A, %swap3A_3] : memref<4096x128xf32, #tpu.memory_space<vmem>>, vector<4096x128xf32>
    tpu.vector_store %arg2[%swap3A, %swap3A_3], %concatenate3A {strides = array<i32>} : memref<4096x128xf32, #tpu.memory_space<vmem>>, vector<4096x128xf32>,
    return
  }
  func.func @transform_0(%arg0: i32) -> (i32, i32) {
    %c0_i32 = arith.constant 0 : i32
    %c0_i32_0 = arith.constant 0 : i32
    return %c0_i32, %arg0 : i32, i32
  }
  func.func @transform_1(%arg0: i32) -> (i32, i32) {
    %c0_i32 = arith.constant 0 : i32
    %c0_i32_0 = arith.constant 0 : i32
    return %arg0, %c0_i32 : i32, i32
  }
}

</mosaic_0001>

<sc_bundles>
// kernel: kernel.4.cloned.1.call-start
scs
__scs_entry_jumppad:
0x0: {  	(pc) =	sbr.rel $0x88, $3  }
0x1: {  	(tag) =	ssettag $0x0;
	lr =	simm.s32 $0x1  }
0x2: {  	[smem:$0x3F9F] =	sst lr;
	_ =	strace $0xD0000000  }
0x3: {  	_ = 	snop  }
0x4: {  	_ = 	snop  }
0x5: {  	_ = 	snop  }
0x6: {  	_ = 	snop  }
0x7: {  	_ = 	snop  }
__scs_overlays_trampoline_lowered:
0x8: {  	[smem:$0x3FAE] =	sst s0  }
0x9: {  	[smem:$0x3FAF] =	sst s1  }
0xa: {  	[smem:$0x3FB0] =	sst s2  }
0xb: {  	[smem:$0x3FB1] =	sst s3  }
0xc: {  	[smem:$0x3FB2] =	sst s4  }
0xd: {  	[smem:$0x3FB3] =	sst s5  }
0xe: {  	[smem:$0x3FB4] =	sst s6  }
0xf: {  	[smem:$0x3FB5] =	sst s7  }
0x10: {  	[smem:$0x3FB6] =	sst s8  }
0x11: {  	[smem:$0x3FB7] =	sst s9;
	s0 =	simm.s32 @!p0 $0x0  }
0x12: {  	s1 =	sld [smem:$0x3F9D];
	s0 =	simm.s32 @p0 $0x1  }
0x13: {  	[smem:$0x3FB8] =	sst s0;
	s0 =	simm.s32 @!p1 $0x0  }
0x14: {  	s2 =	sld [smem:$0x3F9C];
	s0 =	simm.s32 @p1 $0x1  }
0x15: {  	[smem:$0x3FB9] =	sst s0;
	s0 =	simm.s32 @!p2 $0x0  }
0x16: {  	s3 =	sld [smem:$0x3FDB];
	s0 =	simm.s32 @p2 $0x1  }
0x17: {  	s4 =	simm.s32 $0x1BF5;
	[smem:$0x3FBB] =	sst s0  }
0x18: {  	s0 =	sld [smem:$0x3F9E];
	_ =	swait.ge [sflag:s4], $0x0  }
0x19: {  	s7 =	sld [smem:$0x3F9F]  }
0x1a: {  	s8 =	sadd.s32 $0xFFFFE003, lr  }
0x1b: {  	s9 =	sadd.s32 $0xFFFFFEF7, lr;
	s5 =	simm.s32 $0xFFFFFFFF;
	p2 =	slt.u32 s8, $0xFFFFF086  }
0x1c: {  	p1 =	slt.u32 s9, $0xF7A;
	s5 =	simm.s32 @!p2 $0x0  }
0x1d: {  	s5 =	simm.s32 @p1 $0x1;
	p0 =	seq.s32 s7, s2  }
0x1e: {  	s7 =	smul.u32 @!p0 $0xF7A, s2;
	p2 =	seq.s32 @!p0 s5, $0x0  }
0x1f: {  	s9 =	smul.u32 $0xF7A, s1;
	s8 =	simm.s32 @!p0 $0x1BF5;
	p2 =	por !p2, p0  }
0x20: {  	[sflag:s8] =	ssyncset.s32 @!p0 $0xFFFFF086;
	s6 =	sadd.s32 @!p0 s3, s7;
	s7 =	simm.s32 @!p0 $0x108  }
0x21: {  	s3 =	sadd.s32 s3, s9;
	s6 =	sadd.s32 @!p0 $0x88, s6;
	s7 =	simm.s32 @p2 $0x1082  }
0x22: {  	[simem:s7], [sflag:s8] =	dma.local @!p0 [hbm:s6], $0xF7A  }
0x23: {  	s9 =	sor.u32 $0xD0000000, s2;
	s6 =	simm.s32 $0x108;
	_ =	swait.ge @!p0 [sflag:s8], $0x0  }
0x24: {  	s3 =	sadd.s32 $0x88, s3;
	s6 =	simm.s32 @!p1 $0x1082;
	[sflag:s4] =	ssyncset.s32 $0xFFFFF086  }
0x25: {  	[simem:s6], [sflag:s4] =	dma.local [hbm:s3], $0xF7A  }
0x26: {  	[smem:$0x3F9F] =	sst s1;
	(tag) =	ssettag s2;
	_ =	strace s9  }
0x27: {  	s1 =	sld [smem:$0x3FAF]  }
0x28: {  	s2 =	sld [smem:$0x3FB0]  }
0x29: {  	s4 =	sld [smem:$0x3FB2]  }
0x2a: {  	p0 =	seq.s32 s5, $0x0;
	s5 =	sld [smem:$0x3FB3]  }
0x2b: {  	s6 =	sld [smem:$0x3FB4]  }
0x2c: {  	s7 =	sld [smem:$0x3FB5]  }
0x2d: {  	s3 =	simm.s32 $0x108;
	s8 =	sld [smem:$0x3FB6]  }
0x2e: {  	s3 =	simm.s32 @!p0 $0x1082;
	s9 =	sld [smem:$0x3FB7]  }
0x2f: {  	lr =	sadd.s32 s0, s3;
	s0 =	sld [smem:$0x3FAE]  }
0x30: {  	s3 =	sld [smem:$0x3FB1]  }
0x31: {  	[smem:$0x3FBA] =	sst s10  }
0x32: {  	s10 =	sld [smem:$0x3FB8];
	_ =	sdelay $0x3  }
0x33: {  	p0 =	seq.s32 s10, $0x1;
	s10 =	sld [smem:$0x3FBA];
	_ =	sdelay $0x3  }
0x34: {  	[smem:$0x3FBA] =	sst s10  }
0x35: {  	s10 =	sld [smem:$0x3FB9];
	_ =	sdelay $0x3  }
0x36: {  	p1 =	seq.s32 s10, $0x1;
	s10 =	sld [smem:$0x3FBA];
	_ =	sdelay $0x3  }
0x37: {  	[smem:$0x3FBA] =	sst s10  }
0x38: {  	s10 =	sld [smem:$0x3FBB]  }
0x39: {  	_ = 	snop;
	(pc) =	sbr.ind lr, $3  }
0x3a: {  	_ = 	snop  }
0x3b: {  	_ = 	snop  }
0x3c: {  	p2 =	seq.s32 s10, $0x1;
	s10 =	sld [smem:$0x3FBA]  }
0x3d: {  	_ =	shalt  }
0x3e: {  	_ =	shalt  }
0x3f: {  	_ =	shalt  }
0x40: {  	_ =	shalt  }
0x41: {  	_ =	shalt  }
0x42: {  	_ =	shalt  }
0x43: {  	_ =	shalt  }
0x44: {  	_ =	shalt  }
0x45: {  	_ =	shalt  }
0x46: {  	_ =	shalt  }
0x47: {  	_ =	shalt  }
0x48: {  	_ =	shalt  }
0x49: {  	_ =	shalt  }
0x4a: {  	_ =	shalt  }
0x4b: {  	_ =	shalt  }
0x4c: {  	_ =	shalt  }
0x4d: {  	_ =	shalt  }
0x4e: {  	_ =	shalt  }
0x4f: {  	_ =	shalt  }
0x50: {  	_ =	shalt  }
0x51: {  	_ =	shalt  }
0x52: {  	_ =	shalt  }
0x53: {  	_ =	shalt  }
0x54: {  	_ =	shalt  }
0x55: {  	_ =	shalt  }
0x56: {  	_ =	shalt  }
0x57: {  	_ =	shalt  }
0x58: {  	_ =	shalt  }
0x59: {  	_ =	shalt  }
0x5a: {  	_ =	shalt  }
0x5b: {  	_ =	shalt  }
0x5c: {  	_ =	shalt  }
0x5d: {  	_ =	shalt  }
0x5e: {  	_ =	shalt  }
0x5f: {  	_ =	shalt  }
0x60: {  	_ =	shalt  }
0x61: {  	_ =	shalt  }
0x62: {  	_ =	shalt  }
0x63: {  	_ =	shalt  }
0x64: {  	_ =	shalt  }
0x65: {  	_ =	shalt  }
0x66: {  	_ =	shalt  }
0x67: {  	_ =	shalt  }
0x68: {  	_ =	shalt  }
0x69: {  	_ =	shalt  }
0x6a: {  	_ =	shalt  }
0x6b: {  	_ =	shalt  }
0x6c: {  	_ =	shalt  }
0x6d: {  	_ =	shalt  }
0x6e: {  	_ =	shalt  }
0x6f: {  	_ =	shalt  }
0x70: {  	_ =	shalt  }
0x71: {  	_ =	shalt  }
0x72: {  	_ =	shalt  }
0x73: {  	_ =	shalt  }
0x74: {  	_ =	shalt  }
0x75: {  	_ =	shalt  }
0x76: {  	_ =	shalt  }
0x77: {  	_ =	shalt  }
0x78: {  	_ =	shalt  }
0x79: {  	_ =	shalt  }
0x7a: {  	_ =	shalt  }
0x7b: {  	_ =	shalt  }
0x7c: {  	_ =	shalt  }
0x7d: {  	_ =	shalt  }
0x7e: {  	_ =	shalt  }
0x7f: {  	_ =	shalt  }
0x80: {  	_ =	shalt  }
0x81: {  	_ =	shalt  }
0x82: {  	_ =	shalt  }
0x83: {  	_ =	shalt  }
0x84: {  	_ =	shalt  }
0x85: {  	_ =	shalt  }
0x86: {  	_ =	shalt  }
0x87: {  	_ =	shalt  }
.Lfunc_end0:
.L_simem_size_0:
called_computation.1_lowered:
.L_overlay_start_0:
0x88: {  	s2 =	sld [smem:$0x3FD9]  }
0x89: {  	s3 =	sld [smem:$0x3FFE];
	_ =	sdelay $0x1  }
0x8a: {  	s1 =	srdreg.scid  }
0x8b: {  	s0 =	sand.u32 $0x1, s1  }
0x8c: {  	s17 =	sshll.u32 s0, $0xA;
	s2 =	sadd.s32 s3, s2  }
0x8d: {  	s2 =	sadd.s32 s2, s17  }
0x8e: {  	[smem:$0x3FC6] =	sst s2  }
0x8f: {  	_ = 	snop  }
0x90: {  	s2 =	sld [smem:$0x3FD0];
	(tm) =	ssettm $0x1  }
0x91: {  	s18 =	sld [smem:$0x3FFB];
	_ =	sdelay $0x3  }
0x92: {  	_ =	strace s18  }
0x93: {  	s3 =	sld [smem:$0x3FFC];
	_ =	sdelay $0x3  }
0x94: {  	_ =	strace s3  }
0x95: {  	s3 =	sld [smem:$0x3FFD];
	_ =	sdelay $0x3  }
0x96: {  	_ =	strace s3  }
0x97: {  	_ =	strace $0x8FFFFFFF  }
0x98: {  	s19 =	sld [smem:$0x3FDB];
	_ =	sdelay $0x1  }
0x99: {  	s4 =	simm.s32 $_scs_section_size  }
0x9a: {  	s5 =	simm.s32 $_size__tile_overlayer_lowered;
	s6 =	simm.s32 $_tile_overlayer_lowered  }
0x9b: {  	s22 =	simm.s32 $0x1BFF;
	s21 =	sshll.u32 s6, $0x1;
	s3 =	sadd.s32 s4, s19  }
0x9c: {  	s7 =	simm.s32 $0x0;
	s20 =	sshll.u32 s5, $0x1;
	s5 =	sadd.s32 s21, s3  }
0x9d: {  	[timem:s7], [sflag:s22] =	dma.local [hbm:s5], s20  }
0x9e: {  	_ =	swait.ge [sflag:s22], s20  }
0x9f: {  	s4 =	ssub.s32 $0x0, s20;
	[sflag:s22] =	ssyncset.done $0x0  }
0xa0: {  	[sflag:s22] =	ssyncadd.s32 s4;
	_ =	sdelay $0x1  }
0xa1: {  	s23 =	simm.s32 $0x1B8B  }
0xa2: {  	_ =	swait.ge [sflag:s23], $0x1  }
0xa3: {  	[sflag:s23] =	ssyncset.done $0x0  }
0xa4: {  	s25 =	simm.s32 $0x1B8E;
	s24 =	sld [smem:$0x3FFE];
	[sflag:s23] =	ssyncadd.s32 $0xFFFFFFFF  }
0xa5: {  	s26 =	simm.s32 $execute0_lowered;
	[smem:$0x3FD2] =	sst s25  }
0xa6: {  	s5 =	sshll.u32 s26, $0x1;
	_ =	strace $0x80000046;
	[dreg:$0x1] =	wrdreg $0xFFFFFFFF  }
0xa7: {  	s28 =	simm.s32 $_size_execute0_lowered;
	s3 =	sadd.s32 s3, s5;
	[dreg:$0x0] =	wrdreg $0x0  }
0xa8: {  	s5 =	sshll.u32 s28, $0x1;
	[dreg:$0x2] =	wrdreg s3  }
0xa9: {  	[dreg:$0x3] =	wrdreg s5  }
0xaa: {  	[dreg:$0x4] =	wrdreg $0xC0  }
0xab: {  	_ =	task [dreg:s7], $0x5FFFF  }
0xac: {  	[dreg:$0x1] =	wrdreg $0xFFFFFFFF  }
0xad: {  	[dreg:$0x0] =	wrdreg $0x60  }
0xae: {  	[dreg:$0x2] =	wrdreg s2  }
0xaf: {  	[dreg:$0x3] =	wrdreg s24  }
0xb0: {  	[dreg:$0x4] =	wrdreg $0x9  }
0xb1: {  	_ =	task.clear_ibuf [dreg:s7], $0x5FFFF;
	_ =	strace $0x90000046  }
0xb2: {  	s29 =	simm.s32 $0x9;
	_ =	strace $0x80000048  }
0xb3: {  	_ =	swait.ge [sflag:s29], $0x1  }
0xb4: {  	[sflag:s29] =	ssyncadd.s32 $0xFFFFFFFF  }
0xb5: {  	_ =	strace $0x90000048  }
0xb6: {  	_ =	sfence  }
0xb7: {  	s30 =	sld [smem:$0x0];
	_ =	sdelay $0x2  }
0xb8: {  	s31 =	sshll.u32 s1, $0xD;
	s1 =	sshrl.u32 s1, $0x2  }
0xb9: {  	s3 =	sand.u32 $0x4000, s31;
	s1 =	sadd.s32 s1, s30  }
0xba: {  	s0 =	sor.u32 s3, s0;
	s1 =	sshll.u32 s1, $0x11  }
0xbb: {  	s0 =	sor.u32 s1, s0  }
0xbc: {  	s0 =	sadd.s32 $0x8F2B, s0  }
0xbd: {  	[sflag:s0] =	ssyncadd.remote.s32 $0x1  }
0xbe: {  	_ =	sfence.sel $0xFFFF  }
0xbf: {  	[dreg:$0x0] =	wrdreg $0xFFFFFFFF;
	(pc) =	sbr.abs _section_cstart, $3  }
0xc0: {  	[dreg:$0x1] =	wrdreg $0xFFFFFFFF  }
0xc1: {  	_ =	task.clear_ibuf [dreg:s7], $0x2FFFF;
	_ =	strace $0x9FFFFFFF  }
0xc2: {  	(tm) =	ssettm $0x7FFFFFFF  }
0xc3: {  	_ =	shalt  }
tec
execute0_lowered:
.L_overlay_start_1:
0x0: {  	(tag) =	ssettag $0x1  }
0x1: {  	s4 =	rddreg [dreg:$0x0]  }
0x2: {  	s5 =	rddreg [dreg:$0x1];
	s3 =	srdreg.scid  }
0x3: {  	s0 =	stileid.u32;
	s2 =	simm.s32 $0x0;
	s14 =	simm.s32 $0xE400  }
0x4: {  	s16 =	simm.s32 $0x12400;
	s17 =	simm.s32 $0x200;
	s18 =	simm.s32 $0x16400  }
0x5: {  	s19 =	simm.s32 $0x1;
	s20 =	simm.s32 $0x3;
	s21 =	simm.s32 $0x5  }
0x6: {  	s22 =	simm.s32 $0x6;
	s23 =	simm.s32 $0x7;
	s24 =	simm.s32 $0x8  }
0x7: {  	s25 =	simm.s32 $0x9;
	s26 =	simm.s32 $0xA;
	s28 =	simm.s32 $0x0  }
0x8: {  	s6 =	sand.u32 $0x1, s3;
	s29 =	sshll.u32 s0, $0x1;
	s11 =	smul.u32 $0xC8000, s0  }
0x9: {  	[smem:$0x7FF] =	sst s2;
	s7 =	sor.u32 s6, s29;
	s30 =	smul.u32 $0x64000, s6  }
0xa: {  	s3 =	sadd.s32 $0x800, s5;
	s5 =	sadd.s32 $0xF42C00, s5;
	s8 =	smul.u32 $0x6400, s7  }
0xb: {  	_ =	strace $0x80000047;
	s9 =	ssub.s32 $0x2, s6;
	s7 =	smul.u32 $0x64000, s7  }
.Ltmp0:
0xc: {  	s10 =	sshrl.u32 s9, $0x1;
	s31 =	sadd.s32 s11, s5;
	(pc) =	sbr.rel .LBB2_1-.Ltmp0, $4  }
0xd: {  	s11 =	simm.s32 $0x6400;
	s9 =	ssub.s32 s9, s10;
	s10 =	simm.s32 $0x80  }
0xe: {  	s8 =	sshrl.u32 s8, $0x3;
	s7 =	sadd.s32 s5, s7;
	s5 =	smax.u32 s9, $0x1  }
0xf: {  	s9 =	simm.s32 $0xB;
	s4 =	sadd.s32 s4, s8;
	s8 =	sadd.s32 s30, s31  }
0x10: {  	s6 =	sadd.s32 $0x62000, s7;
	s7 =	sadd.s32 $0x63000, s7;
	s8 =	sadd.s32 $0x2000, s8  }
.LBB2_4:
0x11: {  	_ =	swait.ge [sflag:s22], $0x4000  }
0x12: {  	[sflag:s22] =	ssyncset.done $0x0  }
0x13: {  	[sflag:s22] =	ssyncadd.s32 $0xFFFFC000  }
0x14: {  	_ =	swait.ge [sflag:s23], $0x4000  }
0x15: {  	[sflag:s23] =	ssyncset.done $0x0  }
0x16: {  	[sflag:s23] =	ssyncadd.s32 $0xFFFFC000  }
0x17: {  	_ =	swait.ge [sflag:s24], $0x4000  }
0x18: {  	[sflag:s24] =	ssyncset.done $0x0  }
0x19: {  	s28 =	sadd.s32 $0x1, s28;
	[sflag:s24] =	ssyncadd.s32 $0xFFFFC000  }
0x1a: {  	p0 =	sne.s32 s28, s5;
	_ =	swait.ge [sflag:s25], $0x4000  }
.Ltmp1:
0x1b: {  	[sflag:s25] =	ssyncset.done $0x0;
	(pc) =	sbr.rel @!p0 .LBB2_5-.Ltmp1, $4  }
0x1c: {  	[sflag:s25] =	ssyncadd.s32 $0xFFFFC000  }
0x1d: {  	_ =	swait.ge [sflag:s26], $0x4000  }
0x1e: {  	[sflag:s26] =	ssyncset.done $0x0  }
0x1f: {  	[sflag:s26] =	ssyncadd.s32 $0xFFFFC000  }
.LBB2_1:
0x20: {  	[tilespmem:s2], [sflag:$0xB] =	stream.linear.gather [hbm4b:s4+s2], $0x6400, $0x38;
	[tilespmem:$0x1A400] =	vst v63  }
0x21: {  	_ =	swait.ge [sflag:s9], $0x6400  }
0x22: {  	[sflag:s9] =	ssyncset.done $0x0  }
0x23: {  	[sflag:s9] =	ssyncadd.s32 $0xFFFF9C00  }
0x24: {  	[tilespmem:s11], [sflag:$0x1] =	stream.indirect.gather [hbm4b:s3+s10], $0x80, s2, s10, $0xb8;
	[tilespmem:$0x1A400] =	vst v63  }
0x25: {  	s0 =	simm.s32 $0xA400  }
0x26: {  	[tilespmem:s0], [sflag:$0x2] =	stream.indirect.gather [hbm4b:s3+s10], $0x80, s10, s10, $0xb8;
	[tilespmem:$0x1A400] =	vst v63  }
0x27: {  	s15 =	simm.s32 $0x100  }
0x28: {  	[tilespmem:s14], [sflag:$0x3] =	stream.indirect.gather [hbm4b:s3+s10], $0x80, s15, s10, $0xb8;
	[tilespmem:$0x1A400] =	vst v63  }
0x29: {  	s31 =	simm.s32 $0x180  }
0x2a: {  	[tilespmem:s16], [sflag:$0x4] =	stream.indirect.gather [hbm4b:s3+s10], $0x80, s31, s10, $0xb8;
	[tilespmem:$0x1A400] =	vst v63  }
0x2b: {  	s29 =	smov.u32 s8;
	s30 =	simm.s32 $0x0  }
0x2c: {  	[tilespmem:s18], [sflag:$0x5] =	stream.indirect.gather [hbm4b:s3+s10], $0x80, s17, s10, $0xb8;
	[tilespmem:$0x1A400] =	vst v63  }
.LBB2_2:
0x2d: {  	_ =	swait.ge [sflag:s19], $0x4000  }
0x2e: {  	[sflag:s19] =	ssyncset.done $0x0  }
0x2f: {  	s31 =	sadd.s32 $0xFFFFE000, s29;
	p0 =	seq.s32 s30, $0x18600;
	[sflag:s19] =	ssyncadd.s32 $0xFFFFC000  }
0x30: {  	[hbm4b:s31+s2] =	stream.linear.scatter [tilespmem:s11], [sflag:$0x6], $0x4000, $0x38;
	[tilespmem:$0x1A400] =	vst v63  }
0x31: {  	s31 =	simm.s32 @p0 $0x2  }
0x32: {  	_ =	swait.ge @p0 [sflag:s31], $0x4000  }
0x33: {  	[sflag:s31] =	ssyncset.done @p0 $0x0  }
0x34: {  	s0 =	simm.s32 @p0 $0xA400;
	[sflag:s31] =	ssyncadd.s32 @p0 $0xFFFFC000;
	s31 =	simm.s32 @p0 $0x0  }
0x35: {  	[hbm4b:s6+s31] =	stream.linear.scatter @p0 [tilespmem:s0], [sflag:$0x7], $0x4000, $0x38;
	[tilespmem:$0x1A400] =	vst v63  }
0x36: {  	s0 =	simm.s32 @!p0 $0x6  }
0x37: {  	_ =	swait.ge @!p0 [sflag:s0], $0x4000  }
0x38: {  	[sflag:s0] =	ssyncset.done @!p0 $0x0  }
0x39: {  	[sflag:s0] =	ssyncadd.s32 @!p0 $0xFFFFC000;
	s0 =	sshra.s32 @!p0 s30, $0x2  }
0x3a: {  	s12 =	simm.s32 @!p0 $0x80;
	s13 =	simm.s32 @!p0 $0x6400;
	s1 =	sadd.s32 @!p0 $0x280, s0  }
0x3b: {  	[tilespmem:s13], [sflag:$0x1] =	stream.indirect.gather @!p0 [hbm4b:s3+s12], $0x80, s1, s12, $0xb8;
	[tilespmem:$0x1A400] =	vst v63  }
0x3c: {  	s1 =	simm.s32 @!p0 $0x2  }
0x3d: {  	_ =	swait.ge @!p0 [sflag:s1], $0x4000  }
0x3e: {  	s15 =	simm.s32 @!p0 $0xA400;
	[sflag:s1] =	ssyncset.done @!p0 $0x0  }
0x3f: {  	s13 =	simm.s32 @!p0 $0x0;
	[sflag:s1] =	ssyncadd.s32 @!p0 $0xFFFFC000;
	s1 =	sadd.s32 @!p0 $0xFFFFE800, s29  }
0x40: {  	[hbm4b:s1+s13] =	stream.linear.scatter @!p0 [tilespmem:s15], [sflag:$0x7], $0x4000, $0x38;
	[tilespmem:$0x1A400] =	vst v63  }
0x41: {  	s1 =	simm.s32 @!p0 $0x7  }
0x42: {  	_ =	swait.ge @!p0 [sflag:s1], $0x4000  }
0x43: {  	[sflag:s1] =	ssyncset.done @!p0 $0x0  }
0x44: {  	[sflag:s1] =	ssyncadd.s32 @!p0 $0xFFFFC000;
	s1 =	sadd.s32 @!p0 $0x300, s0  }
0x45: {  	[tilespmem:s15], [sflag:$0x2] =	stream.indirect.gather @!p0 [hbm4b:s3+s12], $0x80, s1, s12, $0xb8;
	[tilespmem:$0x1A400] =	vst v63  }
0x46: {  	_ =	swait.ge [sflag:s20], $0x4000  }
0x47: {  	[sflag:s20] =	ssyncset.done $0x0  }
0x48: {  	s15 =	sadd.s32 $0xFFFFF000, s29;
	s1 =	simm.s32 @p0 $0x4;
	[sflag:s20] =	ssyncadd.s32 $0xFFFFC000  }
0x49: {  	[hbm4b:s15+s2] =	stream.linear.scatter [tilespmem:s14], [sflag:$0x8], $0x4000, $0x38;
	[tilespmem:$0x1A400] =	vst v63  }
0x4a: {  	_ =	swait.ge @p0 [sflag:s1], $0x4000  }
0x4b: {  	[sflag:s1] =	ssyncset.done @p0 $0x0  }
0x4c: {  	[sflag:s1] =	ssyncadd.s32 @p0 $0xFFFFC000;
	s1 =	simm.s32 @p0 $0x12400  }
0x4d: {  	[hbm4b:s7+s31] =	stream.linear.scatter @p0 [tilespmem:s1], [sflag:$0x9], $0x4000, $0x38;
	[tilespmem:$0x1A400] =	vst v63  }
0x4e: {  	s1 =	simm.s32 @!p0 $0x8  }
0x4f: {  	_ =	swait.ge @!p0 [sflag:s1], $0x4000  }
0x50: {  	[sflag:s1] =	ssyncset.done @!p0 $0x0  }
0x51: {  	s15 =	simm.s32 @!p0 $0xE400;
	[sflag:s1] =	ssyncadd.s32 @!p0 $0xFFFFC000;
	s1 =	sadd.s32 @!p0 $0x380, s0  }
0x52: {  	[tilespmem:s15], [sflag:$0x3] =	stream.indirect.gather @!p0 [hbm4b:s3+s12], $0x80, s1, s12, $0xb8;
	[tilespmem:$0x1A400] =	vst v63  }
0x53: {  	s1 =	simm.s32 @!p0 $0x4  }
0x54: {  	_ =	swait.ge @!p0 [sflag:s1], $0x4000  }
0x55: {  	[sflag:s1] =	ssyncset.done @!p0 $0x0  }
0x56: {  	s15 =	simm.s32 @!p0 $0x12400;
	[sflag:s1] =	ssyncadd.s32 @!p0 $0xFFFFC000;
	s1 =	sadd.s32 @!p0 $0xFFFFF800, s29  }
0x57: {  	[hbm4b:s1+s13] =	stream.linear.scatter @!p0 [tilespmem:s15], [sflag:$0x9], $0x4000, $0x38;
	[tilespmem:$0x1A400] =	vst v63  }
0x58: {  	s1 =	simm.s32 @!p0 $0x9  }
0x59: {  	_ =	swait.ge @!p0 [sflag:s1], $0x4000  }
0x5a: {  	[sflag:s1] =	ssyncset.done @!p0 $0x0  }
0x5b: {  	s0 =	sadd.s32 @!p0 $0x400, s0;
	[sflag:s1] =	ssyncadd.s32 @!p0 $0xFFFFC000  }
0x5c: {  	[tilespmem:s15], [sflag:$0x4] =	stream.indirect.gather @!p0 [hbm4b:s3+s12], $0x80, s0, s12, $0xb8;
	[tilespmem:$0x1A400] =	vst v63  }
.Ltmp2:
0x5d: {  	_ = 	snop;
	(pc) =	sbr.rel @p0 .LBB2_4-.Ltmp2, $4  }
0x5e: {  	_ =	swait.ge [sflag:s21], $0x4000  }
0x5f: {  	[sflag:s21] =	ssyncset.done $0x0  }
0x60: {  	[sflag:s21] =	ssyncadd.s32 $0xFFFFC000  }
0x61: {  	[hbm4b:s29+s2] =	stream.linear.scatter [tilespmem:s18], [sflag:$0xA], $0x4000, $0x38;
	[tilespmem:$0x1A400] =	vst v63  }
.Ltmp3:
0x62: {  	(pc) =	sbr.rel .LBB2_2-.Ltmp3, $4  }
0x63: {  	_ =	swait.ge [sflag:s26], $0x4000  }
0x64: {  	s0 =	sshra.s32 s30, $0x2;
	s30 =	sadd.s32 $0xA00, s30;
	[sflag:s26] =	ssyncset.done $0x0  }
0x65: {  	s29 =	sadd.s32 $0x2800, s29;
	s0 =	sadd.s32 $0x480, s0;
	[sflag:s26] =	ssyncadd.s32 $0xFFFFC000  }
0x66: {  	[tilespmem:s18], [sflag:$0x5] =	stream.indirect.gather [hbm4b:s3+s10], $0x80, s0, s10, $0xb8;
	[tilespmem:$0x1A400] =	vst v63  }
.LBB2_5:
0x67: {  	_ =	sfence.sel $0x180000  }
0x68: {  	[bflag:$0x0] =	sbarrier.arrive $0xFFFF  }
0x69: {  	_ =	strace $0x90000047  }
0x6a: {  	s0 =	stileid.u32;
	[bflag:$0x2] =	sbarrier.arrive $0xFFFF  }
0x6b: {  	p0 =	sne.s32 s0, $0x0;
	s0 =	rddreg [dreg:$0x2]  }
0x6c: {  	s0 =	sadd.s32 @!p0 $0x100000, s0  }
0x6d: {  	[sflag:s0] =	ssyncadd.tile.s32 @!p0 $0x1;
	_ =	shalt  }
.Lfunc_end2:
_tile_overlayer_lowered:
.L_overlay_start_2:
0x6e: {  	(tag) =	ssettag $0x2  }
0x6f: {  	s0 =	rddreg [dreg:$0x0];
	s2 =	stileid.u32  }
0x70: {  	s1 =	rddreg [dreg:$0x1];
	p0 =	sne.s32 s2, $0x0  }
0x71: {  	s3 =	rddreg [dreg:$0x2];
	[bflag:$0x3] =	sbarrier.arrive $0xFFFF;
	s2 =	simm.s32 @!p0 $0x1C0B  }
0x72: {  	[timem:s3], [sflag:s2] =	dma.local @!p0 [hbm:s0], s1  }
0x73: {  	s0 =	simm.s32 @!p0 $0xB  }
0x74: {  	_ =	swait.ge @!p0 [sflag:s0], s1  }
0x75: {  	s1 =	ssub.s32 @!p0 $0x0, s1;
	[sflag:s0] =	ssyncset.done @!p0 $0x0  }
0x76: {  	[sflag:s0] =	ssyncadd.s32 @!p0 s1  }
0x77: {  	[bflag:$0x3] =	sbarrier.arrive $0xFFFF  }
0x78: {  	_ =	shalt  }

// kernel: sparse-core-data-format-call.cloned.1.call-start
scs
called_computation_lowered:
.L_overlay_start_0:
0x0: {  	s2 =	sld [smem:$0x3FD9]  }
0x1: {  	s3 =	sld [smem:$0x3FFE];
	_ =	sdelay $0x1  }
0x2: {  	s1 =	srdreg.scid  }
0x3: {  	s0 =	sand.u32 $0x1, s1  }
0x4: {  	s18 =	sshll.u32 s0, $0xA;
	s2 =	sadd.s32 s3, s2  }
0x5: {  	s2 =	sadd.s32 s2, s18  }
0x6: {  	[smem:$0x3FC6] =	sst s2  }
0x7: {  	_ = 	snop  }
0x8: {  	s2 =	sld [smem:$0x3FD0];
	(tm) =	ssettm $0x1  }
0x9: {  	s19 =	sld [smem:$0x3FFB];
	_ =	sdelay $0x3  }
0xa: {  	_ =	strace s19  }
0xb: {  	s3 =	sld [smem:$0x3FFC];
	_ =	sdelay $0x3  }
0xc: {  	_ =	strace s3  }
0xd: {  	s3 =	sld [smem:$0x3FFD];
	_ =	sdelay $0x3  }
0xe: {  	_ =	strace s3  }
0xf: {  	_ =	strace $0x8FFFFFFF  }
0x10: {  	s20 =	sld [smem:$0x3FDB];
	_ =	sdelay $0x1  }
0x11: {  	s4 =	simm.s32 $_scs_section_size  }
0x12: {  	s5 =	simm.s32 $_size__tile_overlayer_lowered;
	s6 =	simm.s32 $_tile_overlayer_lowered  }
0x13: {  	s23 =	simm.s32 $0x1BFF;
	s22 =	sshll.u32 s6, $0x1;
	s3 =	sadd.s32 s4, s20  }
0x14: {  	s7 =	simm.s32 $0x0;
	s21 =	sshll.u32 s5, $0x1;
	s5 =	sadd.s32 s22, s3  }
0x15: {  	[timem:s7], [sflag:s23] =	dma.local [hbm:s5], s21  }
0x16: {  	_ =	swait.ge [sflag:s23], s21  }
0x17: {  	s4 =	ssub.s32 $0x0, s21;
	[sflag:s23] =	ssyncset.done $0x0  }
0x18: {  	[sflag:s23] =	ssyncadd.s32 s4;
	_ =	sdelay $0x1  }
0x19: {  	s24 =	simm.s32 $0x1B8B  }
0x1a: {  	_ =	swait.ge [sflag:s24], $0x1  }
0x1b: {  	[sflag:s24] =	ssyncset.done $0x0  }
0x1c: {  	s26 =	simm.s32 $0x1B8E;
	s25 =	sld [smem:$0x3FFE];
	[sflag:s24] =	ssyncadd.s32 $0xFFFFFFFF  }
0x1d: {  	s27 =	simm.s32 $execute0_lowered;
	[smem:$0x3FD2] =	sst s26  }
0x1e: {  	s5 =	sshll.u32 s27, $0x1;
	_ =	strace $0x80000049;
	[dreg:$0x1] =	wrdreg $0xFFFFFFFF  }
0x1f: {  	s28 =	simm.s32 $_size_execute0_lowered;
	s3 =	sadd.s32 s3, s5;
	[dreg:$0x0] =	wrdreg $0x0  }
0x20: {  	s5 =	sshll.u32 s28, $0x1;
	[dreg:$0x2] =	wrdreg s3  }
0x21: {  	[dreg:$0x3] =	wrdreg s5  }
0x22: {  	[dreg:$0x4] =	wrdreg $0xC0  }
0x23: {  	_ =	task [dreg:s7], $0x5FFFF  }
0x24: {  	[dreg:$0x1] =	wrdreg $0xFFFFFFFF  }
0x25: {  	[dreg:$0x0] =	wrdreg $0x60  }
0x26: {  	[dreg:$0x2] =	wrdreg s25  }
0x27: {  	[dreg:$0x3] =	wrdreg s2  }
0x28: {  	[dreg:$0x4] =	wrdreg $0x9  }
0x29: {  	_ =	task.clear_ibuf [dreg:s7], $0x5FFFF;
	_ =	strace $0x90000049  }
0x2a: {  	s29 =	simm.s32 $0x9;
	_ =	strace $0x8000004B  }
0x2b: {  	_ =	swait.ge [sflag:s29], $0x1  }
0x2c: {  	[sflag:s29] =	ssyncadd.s32 $0xFFFFFFFF  }
0x2d: {  	_ =	strace $0x9000004B  }
0x2e: {  	_ =	sfence  }
0x2f: {  	s30 =	sld [smem:$0x0];
	_ =	sdelay $0x2  }
0x30: {  	s31 =	sshll.u32 s1, $0xD;
	s1 =	sshrl.u32 s1, $0x2  }
0x31: {  	s3 =	sand.u32 $0x4000, s31;
	s1 =	sadd.s32 s1, s30  }
0x32: {  	s0 =	sor.u32 s3, s0;
	s1 =	sshll.u32 s1, $0x11  }
0x33: {  	s0 =	sor.u32 s1, s0  }
0x34: {  	s0 =	sadd.s32 $0x8F2B, s0  }
0x35: {  	[sflag:s0] =	ssyncadd.remote.s32 $0x1  }
0x36: {  	_ =	sfence.sel $0xFFFF  }
0x37: {  	[dreg:$0x0] =	wrdreg $0xFFFFFFFF;
	(pc) =	sbr.abs _section_cstart, $3  }
0x38: {  	[dreg:$0x1] =	wrdreg $0xFFFFFFFF  }
0x39: {  	_ =	task.clear_ibuf [dreg:s7], $0x2FFFF;
	_ =	strace $0x9FFFFFFF  }
0x3a: {  	(tm) =	ssettm $0x7FFFFFFF  }
0x3b: {  	_ =	shalt  }
tec
execute0_lowered:
.L_overlay_start_1:
0x0: {  	(tag) =	ssettag $0x1  }
0x1: {  	s0 =	srdreg.scid  }
0x2: {  	s1 =	sshll.u32 s0, $0x4  }
0x3: {  	s6 =	rddreg [dreg:$0x0];
	s0 =	stileid.u32;
	s1 =	sand.u32 $0x10, s1  }
0x4: {  	s3 =	rddreg [dreg:$0x1];
	s1 =	sor.u32 s0, s1  }
0x5: {  	s5 =	simm.s32 $0x1;
	s31 =	simm.s32 $0x2;
	s2 =	sshll.u32 s1, $0x7  }
0x6: {  	s15 =	simm.s32 $0x0;
	s8 =	simm.s32 $0xC8000;
	s4 =	ssub.s32 $0x1000, s2  }
0x7: {  	s14 =	simm.s32 $0x0;
	s9 =	simm.s32 $0x0;
	s30 =	sand.u32 $0xF80, s4  }
0x8: {  	s10 =	simm.s32 $0x0;
	s11 =	simm.s32 $0x0;
	p0 =	sne.s32 s30, $0x0  }
.Ltmp0:
0x9: {  	s7 =	sshrl.u32 s4, $0xC;
	s5 =	simm.s32 @!p0 $0x0;
	(pc) =	sbr.rel .LBB1_1-.Ltmp0, $4  }
0xa: {  	s13 =	simm.s32 $0x0;
	s1 =	rddreg [dreg:$0x2];
	s5 =	sadd.s32 s5, s7  }
0xb: {  	_ =	strace $0x8000004A;
	s4 =	simm.s32 $0x1;
	s5 =	smul.u32 $0xC8, s5  }
0xc: {  	s6 =	sadd.s32 $0xF42C00, s6;
	s12 =	smov.u32 s2;
	[sflag:s4] =	ssyncpa.u1 $0x0  }
0xd: {  	[sflag:s31] =	ssyncpa.u1 $0x0;
	p0 =	por $0x0, $0x0;
	s7 =	sor.u32 $0x1, s5  }
.LBB1_4:
0xe: {  	s18 =	sshll.u32 s9, $0xC;
	s19 =	sand.u32 $0x78, s10;
	s20 =	sshll.u32 s10, $0x3  }
0xf: {  	s22 =	sshll.u32 s9, $0x7;
	p1 =	sgt.s32 s9, $0xC7;
	s25 =	sshra.s32 s9, $0x1F  }
0x10: {  	s23 =	smov.u32 s10;
	s24 =	sshra.s32 s10, $0x1F;
	s29 =	sand.u32 $0x7, s10  }
0x11: {  	s18 =	sand.u32 $0xFFFF8000, s18;
	s21 =	sand.u32 $0xFFFFFC00, s20;
	s20 =	sand.u32 $0xC00, s20  }
0x12: {  	s30 =	sand.u32 $0x380, s22;
	s22 =	sand.u32 s25, s9;
	s18 =	sadd.s32 s21, s18  }
0x13: {  	s19 =	sor.u32 s19, s20;
	s20 =	smov.u32 s9;
	s18 =	sshrl.u32 s18, $0xC  }
0x14: {  	s20 =	simm.s32 @!p1 $0xC7;
	p1 =	sgt.s32 s10, $0xF80;
	s31 =	smulhi.u32 $0x147AE15, s18  }
0x15: {  	s26 =	sand.u32 s24, s10;
	s20 =	ssub.s32 s20, s22;
	s23 =	simm.s32 @!p1 $0xF80  }
0x16: {  	s27 =	ssub.s32 $0xC8, s20;
	s22 =	ssub.s32 s23, s26;
	s21 =	smul.u32 $0xC8, s31  }
0x17: {  	s20 =	sadd.s32 $0xFFFFFF39, s20;
	s23 =	smul.u32 $0x32, s27;
	s28 =	sadd.s32 $0xFFFFF080, s22  }
0x18: {  	p1 =	sgt.s32 s20, $0x0;
	s20 =	ssub.s32 $0x1000, s22;
	p2 =	sgt.s32 s28, $0x7F  }
0x19: {  	s19 =	sor.u32 s30, s19;
	s23 =	simm.s32 @p1 $0x0;
	s20 =	simm.s32 @p2 $0x0  }
0x1a: {  	[tilespmem:s17+$0x810 ss:$0x81] =	vst.msk $0xffff, v2;
	s19 =	sshrl.u32 s19, $0x3;
	s18 =	ssub.s32 s18, s21;
	s20 =	smul.u32 s20, s23  }
0x1b: {  	[tilespmem:s17+$0x1020 ss:$0x81] =	vst.msk $0xffff, v0;
	s19 =	sadd.s32 s3, s19;
	s21 =	sshll.u32 s29, $0x12;
	s18 =	sshll.u32 s18, $0x9  }
0x1c: {  	[tilespmem:s17+$0x0 ss:$0x81] =	vst.msk $0xffff, v1;
	s31 =	sor.u32 $0x80, s21;
	s18 =	sadd.s32 s18, s19;
	s30 =	sand.u32 $0x3FFFFFFE, s20  }
0x1d: {  	[hbm4b:s18+s31] =	stream.strided.scatter [tilespmem:s16], [sflag:$0x2], s30, s8, s31, $0x20;
	[tilespmem:$0x8080] =	vst v63  }
.LBB1_5:
0x1e: {  	p1 =	slt.u32 s13, $0x2  }
0x1f: {  	s17 =	smov.u32 s15;
	p2 =	sgt.s32 @!p1 s15, $0xC7;
	s16 =	sshra.s32 @!p1 s15, $0x1F  }
0x20: {  	p3 =	sgt.s32 @!p1 s14, $0xF80;
	s18 =	sshra.s32 @!p1 s14, $0x1F;
	p2 =	por !p2, p1  }
0x21: {  	s15 =	sand.u32 @!p1 s16, s15;
	p3 =	por !p3, p1;
	s16 =	smov.u32 s14  }
0x22: {  	s14 =	sand.u32 @!p1 s18, s14;
	s17 =	simm.s32 @p2 $0xC7;
	s16 =	simm.s32 @p3 $0xF80  }
0x23: {  	s18 =	smov.u32 s12;
	s15 =	ssub.s32 @!p1 s17, s15;
	s14 =	ssub.s32 @!p1 s16, s14  }
0x24: {  	s16 =	sadd.s32 @!p1 $0xFFFFFF39, s15;
	s15 =	ssub.s32 @!p1 $0xC8, s15;
	s17 =	sadd.s32 @!p1 $0xFFFFF080, s14  }
0x25: {  	p2 =	sgt.s32 @!p1 s16, $0x0;
	s15 =	smul.u32 @!p1 $0x32, s15;
	p3 =	sgt.s32 @!p1 s17, $0x7F  }
0x26: {  	s14 =	ssub.s32 @!p1 $0x1000, s14;
	p2 =	por !p2, p1;
	p3 =	por !p3, p1  }
0x27: {  	s16 =	sadd.s32 $0x1, s11;
	s15 =	simm.s32 @!p2 $0x0;
	s14 =	simm.s32 @!p3 $0x0  }
0x28: {  	p2 =	sgt.s32 s16, $0xC7;
	s14 =	smul.u32 @!p1 s14, s15;
	s15 =	sadd.s32 $0x1000, s12  }
0x29: {  	s18 =	smov.u32 @p2 s15  }
0x2a: {  	s16 =	simm.s32 @p2 $0x0;
	p2 =	sgt.s32 s18, $0xFFF  }
0x2b: {  	s18 =	smov.u32 @p2 s2;
	p2 =	sne.s32 s13, s7  }
.Ltmp1:
0x2c: {  	p0 =	por !p0, !p0;
	s17 =	simm.s32 @!p1 $0x2;
	(pc) =	sbr.rel @!p2 .LBB1_6-.Ltmp1, $4  }
0x2d: {  	s15 =	smov.u32 s9;
	s9 =	smov.u32 s11;
	s14 =	sand.u32 @!p1 $0x3FFFFFFE, s14  }
0x2e: {  	s11 =	smov.u32 s16;
	_ =	swait.ge @!p1 [sflag:s17], s14;
	s19 =	ssub.s32 @!p1 $0x0, s14  }
0x2f: {  	s14 =	smov.u32 s10;
	s13 =	sadd.s32 $0x1, s13;
	[sflag:s17] =	ssyncset.done @!p1 $0x0  }
0x30: {  	s10 =	smov.u32 s12;
	s12 =	smov.u32 s18;
	[sflag:s17] =	ssyncadd.s32 @!p1 s19  }
.LBB1_1:
0x31: {  	p1 =	sge.u32 s13, s5  }
0x32: {  	s16 =	sand.u32 @!p1 $0x1FFFFFF, s11  }
0x33: {  	s17 =	smulhi.u32 @!p1 $0x147AE15, s16;
	_ =	sdelay $0x1  }
0x34: {  	s17 =	smul.u32 @!p1 $0xC8, s17  }
0x35: {  	s18 =	sxor.u32 @!p1 $0xFFFFFFFF, s13;
	s19 =	smul.u32 @!p1 $0xC80, s12  }
0x36: {  	s31 =	sadd.s32 $0xFFFFFFFF, s13;
	s18 =	sshll.u32 @!p1 s18, $0xD;
	s16 =	ssub.s32 @!p1 s16, s17  }
0x37: {  	s17 =	sand.u32 @!p1 $0x2000, s18;
	s18 =	sadd.s32 @!p1 s6, s19;
	s16 =	sshll.u32 @!p1 s16, $0x4  }
0x38: {  	s19 =	simm.s32 @!p1 $0x6400;
	s16 =	sadd.s32 @!p1 s16, s18;
	s18 =	simm.s32 @!p1 $0x40  }
0x39: {  	[tilespmem:s17], [sflag:$0x1] =	stream.strided.gather @!p1 [hbm4b:s16+s18], $0x2000, s19, s18, $0x38;
	[tilespmem:$0x8080] =	vst v63  }
0x3a: {  	p1 =	sge.u32 s31, s5  }
.Ltmp2:
0x3b: {  	_ = 	snop;
	(pc) =	sbr.rel @p1 .LBB1_5-.Ltmp2, $1  }
0x3c: {  	_ =	sdelay $0x3  }
0x3d: {  	s16 =	simm.s32 $0x1  }
0x3e: {  	_ =	swait.ge [sflag:s4], $0x2000;
	s16 =	simm.s32 @!p0 $0x0  }
0x3f: {  	[sflag:s4] =	ssyncset.done $0x0;
	s17 =	sshll.u32 s16, $0xD  }
0x40: {  	[sflag:s4] =	ssyncadd.s32 $0xFFFFE000;
	s20 =	sor.u32 $0x20, s17  }
0x41: {  	s16 =	smul.u32 $0x8100, s16;
	v3 =	vld [tilespmem:s20+$0x10]  }
0x42: {  	s30 =	sand.u32 $0x1, s13;
	v2 =	vld [tilespmem:s20+$0xFFFFFFF0]  }
0x43: {  	s17 =	smul.u32 $0x8100, s30;
	s16 =	sshrl.u32 s16, $0x2;
	v0 =	vld [tilespmem:s20+$0x0]  }
0x44: {  	v1 =	vld [tilespmem:s20+$0xFFFFFFE0];
	s18 =	sor.u32 $0x4000, s16  }
0x45: {  	s31 =	sshrl.u32 s17, $0x2;
	s17 =	sadd.s32 $0x0, s18  }
0x46: {  	s19 =	simm.s32 $0x4;
	s20 =	sadd.s32 $0x40, s20;
	s16 =	sor.u32 $0x4000, s31;
	[tilespmem:s17+$0x1830 ss:$0x81] =	vst.msk $0xffff, v3  }
.LBB1_3:
0x47: {  	v3 =	vld [tilespmem:s20+$0x10];
	p1 =	sne.s32 s19, $0x1FC;
	[tilespmem:s17+$0x810 ss:$0x81] =	vst.msk $0xffff, v2;
	s21 =	smov.u32 s19;
	s19 =	sadd.s32 $0x4, s19  }
.Ltmp3:
0x48: {  	v2 =	vld [tilespmem:s20+$0xFFFFFFF0];
	[tilespmem:s17+$0x1020 ss:$0x81] =	vst.msk $0xffff, v0;
	(pc) =	sbr.rel @p1 .LBB1_3-.Ltmp3, $4  }
0x49: {  	v0 =	vld [tilespmem:s20+$0x0];
	[tilespmem:s17+$0x0 ss:$0x81] =	vst.msk $0xffff, v1  }
0x4a: {  	s17 =	sshra.s32 s21, $0x2;
	v1 =	vld [tilespmem:s20+$0xFFFFFFE0]  }
0x4b: {  	s17 =	sadd.s32 s17, s18  }
0x4c: {  	s20 =	sadd.s32 $0x40, s20;
	[tilespmem:s17+$0x1830 ss:$0x81] =	vst.msk $0xffff, v3  }
.Ltmp4:
0x4d: {  	_ = 	snop;
	(pc) =	sbr.rel .LBB1_4-.Ltmp4, $1  }
0x4e: {  	_ =	sdelay $0x3  }
.LBB1_6:
0x4f: {  	_ =	sfence.sel $0x180000  }
0x50: {  	s2 =	simm.s32 $0x1;
	[bflag:$0x0] =	sbarrier.arrive $0xFFFF  }
0x51: {  	s31 =	simm.s32 $0x2;
	[sflag:s2] =	ssyncpa.u1 $0x1  }
0x52: {  	[sflag:s31] =	ssyncpa.u1 $0x1  }
0x53: {  	p0 =	sne.s32 s0, $0x0;
	_ =	strace $0x9000004A  }
0x54: {  	s0 =	sadd.s32 @!p0 $0x100000, s1;
	[bflag:$0x2] =	sbarrier.arrive $0xFFFF  }
0x55: {  	[sflag:s0] =	ssyncadd.tile.s32 @!p0 $0x1;
	_ =	shalt  }
.Lfunc_end1:
_tile_overlayer_lowered:
.L_overlay_start_2:
0x56: {  	(tag) =	ssettag $0x2  }
0x57: {  	s0 =	rddreg [dreg:$0x0];
	s2 =	stileid.u32  }
0x58: {  	s1 =	rddreg [dreg:$0x1];
	p0 =	sne.s32 s2, $0x0  }
0x59: {  	s3 =	rddreg [dreg:$0x2];
	[bflag:$0x3] =	sbarrier.arrive $0xFFFF;
	s2 =	simm.s32 @!p0 $0x1C01  }
0x5a: {  	[timem:s3], [sflag:s2] =	dma.local @!p0 [hbm:s0], s1  }
0x5b: {  	s0 =	simm.s32 @!p0 $0x1  }
0x5c: {  	_ =	swait.ge @!p0 [sflag:s0], s1  }
0x5d: {  	s1 =	ssub.s32 @!p0 $0x0, s1;
	[sflag:s0] =	ssyncset.done @!p0 $0x0  }
0x5e: {  	[sflag:s0] =	ssyncadd.s32 @!p0 s1  }
0x5f: {  	[bflag:$0x3] =	sbarrier.arrive $0xFFFF  }
0x60: {  	_ =	shalt  }

</sc_bundles>
